<compile_context>
chip_gen: v7x
topology: tpu7x:2x2x1
jax: 0.10.2.dev20260603
libtpu: 0.0.44.dev20260713+nightly
codegen_flags: <defaults>
</compile_context>

<pallas_src>
import functools

import jax
import jax.numpy as jnp
import numpy as np
from jax import lax
from jax.experimental import pallas as pl
from jax.experimental.pallas import tpu as pltpu
from jax.experimental.pallas import tpu_sc as plsc

PS = 7
B, HD, T, C, H, W = 1, 4, 2, 32, 32, 32
K = 10
BH = B * HD
PADW = W + PS - 1
ROWW = PADW * C
VWORDS = T * PADW * ROWW
STRIP_ROWS = 14
STRIP = STRIP_ROWS * ROWW
NTEC = 32
QPT = 256


def _sc_body(vpad_hbm, bq_hbm, dq_hbm, out_hbm, vpad_v, bq_v, dq_v, opad_v):
    cid = lax.axis_index("c")
    sid = lax.axis_index("s")
    wid = sid * 2 + cid
    bh = wid // 8
    pltpu.sync_copy(vpad_hbm.at[bh], vpad_v)
    pltpu.sync_copy(bq_hbm.at[wid], bq_v)
    pltpu.sync_copy(dq_hbm.at[wid], dq_v)

    iota = jnp.arange(16, dtype=jnp.int32)
    zeros = jnp.zeros((16,), jnp.float32)

    def zbody(i, _):
        plsc.store_scatter(opad_v, [i * 16 + iota], zeros)
        return 0

    lax.fori_loop(0, STRIP // 16, zbody, 0)

    def qbody(q, _):
        nh = q // 32
        nw = q - nh * 32
        obase = nh * ROWW + nw * C
        bvec = bq_v[pl.ds(q * K, 16)]
        wvec = dq_v[pl.ds(q * K, 16)]
        bs = [bvec[k] for k in range(K)]
        ws = [
            plsc.bitcast(jnp.full((16,), wvec[k], jnp.int32), jnp.bfloat16)
            for k in range(K)
        ]

        @plsc.parallel_loop(0, PS)
        def ibody(i):
            roff2 = i * (ROWW // 2)
            for m in range(PS):
                off2 = roff2 + m * 16
                vk = plsc.bitcast(vpad_v[pl.ds(bs[0] + off2, 16)], jnp.bfloat16)
                a0 = vk * ws[0]
                vk = plsc.bitcast(vpad_v[pl.ds(bs[1] + off2, 16)], jnp.bfloat16)
                a1 = vk * ws[1]
                for k in range(2, K, 2):
                    vk = plsc.bitcast(
                        vpad_v[pl.ds(bs[k] + off2, 16)], jnp.bfloat16)
                    a0 = a0 + vk * ws[k]
                    vk = plsc.bitcast(
                        vpad_v[pl.ds(bs[k + 1] + off2, 16)], jnp.bfloat16)
                    a1 = a1 + vk * ws[k + 1]
                lo, hi = plsc.unpack(a0 + a1, format=plsc.PackFormat.INTERLEAVED)
                w0 = obase + i * ROWW + m * 32
                plsc.addupdate(opad_v.at[pl.ds(w0, 16)], lo)
                plsc.addupdate(opad_v.at[pl.ds(w0 + 16, 16)], hi)

        return 0

    lax.fori_loop(0, QPT, qbody, 0)
    pltpu.sync_copy(opad_v, out_hbm.at[wid])


_sc_call = functools.partial(
    pl.kernel,
    out_type=jax.ShapeDtypeStruct((NTEC, STRIP), jnp.float32),
    mesh=plsc.VectorSubcoreMesh(core_axis_name="c", subcore_axis_name="s"),
    compiler_params=pltpu.CompilerParams(needs_layout_passes=False),
    scratch_types=[
        pltpu.VMEM((VWORDS // 2,), jnp.int32),
        pltpu.VMEM((QPT * K,), jnp.int32),
        pltpu.VMEM((QPT * K,), jnp.int32),
        pltpu.VMEM((STRIP,), jnp.float32),
    ],
)(_sc_body)


def _tc_body(parts_ref, invc_ref, out_ref):
    p = parts_ref[...]

    def pad_rows(x, lo, hi):
        z = jnp.zeros((8, 1, ROWW), jnp.float32)
        pieces = [z] * lo + [x] + [z] * hi
        return jnp.concatenate(pieces, axis=1) if len(pieces) > 1 else x

    opad = sum(
        pad_rows(p[:, blk], blk * 8, PADW - STRIP_ROWS - blk * 8)
        for blk in range(4)
    )
    rev_rows = jnp.concatenate(
        [opad[:, PADW - 1 - m: PADW - m, :] for m in range(PS - 1)], axis=1
    )
    top = opad[:, :H, :] + pad_rows(rev_rows, 25, 1)
    zc = jnp.zeros((8, H, C), jnp.float32)
    rev_cols = [zc] * 25 + [
        top[:, :, (PADW - 1 - m) * C: (PADW - m) * C] for m in range(PS - 1)
    ] + [zc]
    res = top[:, :, : W * C] + jnp.concatenate(rev_cols, axis=2)
    out_ref[...] = res * invc_ref[...][None, :, :]


def _fold_counts():
    dy = np.arange(PS)
    hh = np.abs(np.arange(H)[:, None] + dy[None, :])
    hh = np.where(hh > H - 1, 2 * (H - 1) - hh, hh)
    ch = np.zeros(H, np.float64)
    np.add.at(ch, hh, 1.0)
    invc = 1.0 / (ch[:, None] * ch[None, :])
    return np.repeat(invc, C, axis=1).astype(np.float32)


_INVC = _fold_counts()


def kernel(vid_in, dists, inds):
    vbits = lax.bitcast_convert_type(
        vid_in.reshape(BH, T, C, H, W).astype(jnp.bfloat16), jnp.uint16
    ).astype(jnp.uint32)
    vpk = lax.bitcast_convert_type(
        vbits[:, :, : C // 2] | (vbits[:, :, C // 2:] << 16), jnp.int32
    ).transpose(0, 1, 3, 4, 2)
    vflat = jnp.pad(
        vpk, ((0, 0), (0, 0), (0, PS - 1), (0, PS - 1), (0, 0)),
        mode="reflect").reshape(BH, VWORDS // 2)

    ix = inds.reshape(BH, T, H, W, K, 3).astype(jnp.int32)
    tn = ix[..., 0] % T
    bq = ((tn * PADW + ix[..., 1]) * PADW + ix[..., 2]) * (C // 2)
    bq_t = bq.reshape(BH, T, 4, 8, W, K).reshape(NTEC, QPT * K)
    dbits = lax.bitcast_convert_type(
        dists.astype(jnp.bfloat16), jnp.uint16).astype(jnp.uint32)
    dq_t = lax.bitcast_convert_type(
        dbits | (dbits << 16), jnp.int32
    ).reshape(BH, T, 4, 8, W, K).reshape(NTEC, QPT * K)

    parts = _sc_call(vflat, bq_t, dq_t)
    parts = parts.reshape(8, 4, STRIP_ROWS, ROWW)

    res = pl.pallas_call(
        _tc_body,
        out_shape=jax.ShapeDtypeStruct((8, H, W * C), jnp.float32),
    )(parts, jnp.asarray(_INVC))

    out = res.reshape(BH, T, H, W, C).transpose(0, 1, 4, 2, 3)
    return out.reshape(B, HD, T, C, H, W)

# --- scband reference (transcript-rebuilt; emitter-appended) ---
"""Pipeline reference for scband-weighted-sum-22539988370068 (READ-ONLY COPY).

The authoritative reference and input builder live on the scoring server;
editing this copy changes nothing except your own understanding.
"""

import jax, jax.numpy as jnp
import numpy as np

PS = 7
B, HD, T, C, H, W = 1, 4, 2, 32, 32, 32
K = 10


def reflect(idx, L):
    idx = jnp.abs(idx)
    return jnp.where(idx > L - 1, 2 * (L - 1) - idx, idx)


def setup_inputs(seed: int = 0):
    key = jax.random.key(seed)
    k1, k2, k3 = jax.random.split(key, 3)
    vid_in = jax.random.normal(k1, (B, HD, T, C, H, W), dtype=jnp.float32)
    dists = jax.random.uniform(k2, (B, HD, T, H, W, K), dtype=jnp.float32)
    inds = jax.random.randint(k3, (B, HD, T, H, W, K, 3), 0, 32, dtype=jnp.int64)
    return {"vid_in": vid_in, "dists": dists, "inds": inds}


def reference(vid_in, dists, inds):
    Bv, HDv, Tv, Cv, Hv, Wv = vid_in.shape
    _, _, _, nH, nW, Kv = dists.shape
    ps = PS
    BH = Bv * HDv
    # [BH, T, H, W, C] channel-last for clean advanced indexing
    vid = vid_in.reshape(BH, Tv, Cv, Hv, Wv).transpose(0, 1, 3, 4, 2)
    d = dists.reshape(BH, Tv, nH, nW, Kv)
    ix = inds.reshape(BH, Tv, nH, nW, Kv, 3)
    dy = jnp.arange(ps)
    bb = jnp.arange(BH)[:, None, None, None, None, None]  # [BH,1,1,1,1,1]
    acc = jnp.zeros((BH, Tv, nH, nW, ps, ps, Cv), dtype=jnp.float32)
    for k in range(Kv):
        tn = (ix[..., k, 0] % Tv)[..., None, None]                      # [BH,T,nH,nW,1,1]
        hn = reflect(ix[..., k, 1][..., None, None] + dy[:, None], Hv)  # [BH,T,nH,nW,ps,1]
        wn = reflect(ix[..., k, 2][..., None, None] + dy[None, :], Wv)  # [BH,T,nH,nW,1,ps]
        patch = vid[bb, tn, hn, wn]                                     # [BH,T,nH,nW,ps,ps,C]
        acc = acc + d[..., k][..., None, None, None] * patch
    # fold: overlap-add patches back onto the video grid with reflect bounds
    hh = reflect(jnp.arange(nH)[:, None] + dy[None, :], Hv)  # [nH,ps]
    ww = reflect(jnp.arange(nW)[:, None] + dy[None, :], Wv)  # [nW,ps]
    h_idx = hh[:, None, :, None]  # [nH,1,ps,1]
    w_idx = ww[None, :, None, :]  # [1,nW,1,ps]
    out = jnp.zeros((BH, Tv, Hv, Wv, Cv), dtype=jnp.float32)
    out = out.at[:, :, h_idx, w_idx, :].add(acc)
    cnt = jnp.zeros((Hv, Wv), dtype=jnp.float32).at[h_idx, w_idx].add(1.0)
    vid_out = out / cnt[None, None, :, :, None]
    return vid_out.transpose(0, 1, 4, 2, 3).reshape(Bv, HDv, Tv, Cv, Hv, Wv)

if __name__ == "__main__":
    import jax
    _d = setup_inputs()
    print(jax.jit(kernel)(*tuple(_d.values())))

</pallas_src>

<mosaic_0001>
#map = affine_map<(d0, d1) -> (0, 0)>
module attributes {stable_mosaic.version = 14 : i64} {
  func.func @_sc_body(%arg0: i32, %arg1: i32, %arg2: memref<4x46208xi32, #tpu.memory_space<hbm>>, %arg3: memref<32x2560xi32, #tpu.memory_space<hbm>>, %arg4: memref<32x2560xi32, #tpu.memory_space<hbm>>, %arg5: memref<32x17024xf32, #tpu.memory_space<hbm>>, %arg6: memref<46208xi32, #tpu.memory_space<vmem>>, %arg7: memref<2560xi32, #tpu.memory_space<vmem>>, %arg8: memref<2560xi32, #tpu.memory_space<vmem>>, %arg9: memref<17024xf32, #tpu.memory_space<vmem>>) attributes {dimension_semantics = [#tpu.dimension_semantics<core_parallel>, #tpu.dimension_semantics<subcore_parallel>], iteration_bounds = array<i64: 2, 16>, scalar_prefetch = 0 : i64, scratch_operands = 4 : i64, tpu.core_type = #tpu.core_type<sc_vector_subcore>, window_params = [{transform_indices = #map}, {transform_indices = #map}, {transform_indices = #map}, {transform_indices = #map}]} {
    %mul3A = arith.constant 2 : i32
    %mul3A_0 = arith.muli %arg1, %mul3A : i32
    %add3A = arith.addi %mul3A_0, %arg0 : i32
    %jit3A = arith.constant 8 : i32
    %div3A = arith.divsi %add3A, %jit3A : i32
    %sign3A = arith.constant 0 : i32
    %sign3A_1 = arith.cmpi sgt, %add3A, %sign3A : i32
    %sign3A_2 = arith.extui %sign3A_1 : i1 to i32
    %sign3A_3 = arith.constant 0 : i32
    %sign3A_4 = arith.cmpi slt, %add3A, %sign3A_3 : i32
    %sign3A_5 = arith.extui %sign3A_4 : i1 to i32
    %sign3A_6 = arith.subi %sign3A_2, %sign3A_5 : i32
    %sign3A_7 = arith.constant 0 : i32
    %sign3A_8 = arith.cmpi sgt, %jit3A, %sign3A_7 : i32
    %sign3A_9 = arith.extui %sign3A_8 : i1 to i32
    %sign3A_10 = arith.constant 0 : i32
    %sign3A_11 = arith.cmpi slt, %jit3A, %sign3A_10 : i32
    %sign3A_12 = arith.extui %sign3A_11 : i1 to i32
    %sign3A_13 = arith.subi %sign3A_9, %sign3A_12 : i32
    %ne3A = arith.cmpi ne, %sign3A_6, %sign3A_13 : i32
    %rem3A = arith.remsi %add3A, %jit3A : i32
    %ne3A_14 = arith.constant 0 : i32
    %ne3A_15 = arith.cmpi ne, %rem3A, %ne3A_14 : i32
    %and3A = arith.andi %ne3A, %ne3A_15 : i1
    %sub3A = arith.constant 1 : i32
    %sub3A_16 = arith.subi %div3A, %sub3A : i32
    %select_n3A = arith.select %and3A, %sub3A_16, %div3A : i32
    "tpu.region"() ({
      %run_scoped3A = tpu.sem_alloc : memref<!tpu.dma_semaphore, #tpu.memory_space<semaphore_mem>>
      %dma_start3A = arith.constant 0 : i32
      %dma_start3A_31 = tpu.memref_slice %arg2[%select_n3A, %dma_start3A] : memref<4x46208xi32, #tpu.memory_space<hbm>> -> memref<1x46208xi32, #tpu.memory_space<hbm>>
      %dma_start3A_32 = tpu.memref_squeeze %dma_start3A_31 : memref<1x46208xi32, #tpu.memory_space<hbm>> -> memref<46208xi32, #tpu.memory_space<hbm>>
      %dma_start3A_33 = arith.constant 0 : i32
      %dma_start3A_34 = tpu.memref_slice %arg2[%select_n3A, %dma_start3A_33] : memref<4x46208xi32, #tpu.memory_space<hbm>> -> memref<1x46208xi32, #tpu.memory_space<hbm>>
      %dma_start3A_35 = tpu.memref_squeeze %dma_start3A_34 : memref<1x46208xi32, #tpu.memory_space<hbm>> -> memref<46208xi32, #tpu.memory_space<hbm>>
      tpu.enqueue_dma source(%dma_start3A_35 : memref<46208xi32, #tpu.memory_space<hbm>>) target(%arg6 : memref<46208xi32, #tpu.memory_space<vmem>>) target_semaphore(%run_scoped3A : memref<!tpu.dma_semaphore, #tpu.memory_space<semaphore_mem>>)
      %dma_wait3A = arith.constant 0 : i32
      %dma_wait3A_36 = tpu.memref_slice %arg2[%select_n3A, %dma_wait3A] : memref<4x46208xi32, #tpu.memory_space<hbm>> -> memref<1x46208xi32, #tpu.memory_space<hbm>>
      %dma_wait3A_37 = tpu.memref_squeeze %dma_wait3A_36 : memref<1x46208xi32, #tpu.memory_space<hbm>> -> memref<46208xi32, #tpu.memory_space<hbm>>
      %dma_wait3A_38 = arith.constant 0 : i32
      %dma_wait3A_39 = tpu.memref_slice %arg2[%select_n3A, %dma_wait3A_38] : memref<4x46208xi32, #tpu.memory_space<hbm>> -> memref<1x46208xi32, #tpu.memory_space<hbm>>
      %dma_wait3A_40 = tpu.memref_squeeze %dma_wait3A_39 : memref<1x46208xi32, #tpu.memory_space<hbm>> -> memref<46208xi32, #tpu.memory_space<hbm>>
      tpu.wait_dma2 semaphore(%run_scoped3A : memref<!tpu.dma_semaphore, #tpu.memory_space<semaphore_mem>>) src(%dma_wait3A_40 : memref<46208xi32, #tpu.memory_space<hbm>>) dst(%arg6 : memref<46208xi32, #tpu.memory_space<vmem>>)
      tpu.yield
    }) : () -> ()
    "tpu.region"() ({
      %run_scoped3A = tpu.sem_alloc : memref<!tpu.dma_semaphore, #tpu.memory_space<semaphore_mem>>
      %dma_start3A = arith.constant 0 : i32
      %dma_start3A_31 = tpu.memref_slice %arg3[%add3A, %dma_start3A] : memref<32x2560xi32, #tpu.memory_space<hbm>> -> memref<1x2560xi32, #tpu.memory_space<hbm>>
      %dma_start3A_32 = tpu.memref_squeeze %dma_start3A_31 : memref<1x2560xi32, #tpu.memory_space<hbm>> -> memref<2560xi32, #tpu.memory_space<hbm>>
      %dma_start3A_33 = arith.constant 0 : i32
      %dma_start3A_34 = tpu.memref_slice %arg3[%add3A, %dma_start3A_33] : memref<32x2560xi32, #tpu.memory_space<hbm>> -> memref<1x2560xi32, #tpu.memory_space<hbm>>
      %dma_start3A_35 = tpu.memref_squeeze %dma_start3A_34 : memref<1x2560xi32, #tpu.memory_space<hbm>> -> memref<2560xi32, #tpu.memory_space<hbm>>
      tpu.enqueue_dma source(%dma_start3A_35 : memref<2560xi32, #tpu.memory_space<hbm>>) target(%arg7 : memref<2560xi32, #tpu.memory_space<vmem>>) target_semaphore(%run_scoped3A : memref<!tpu.dma_semaphore, #tpu.memory_space<semaphore_mem>>)
      %dma_wait3A = arith.constant 0 : i32
      %dma_wait3A_36 = tpu.memref_slice %arg3[%add3A, %dma_wait3A] : memref<32x2560xi32, #tpu.memory_space<hbm>> -> memref<1x2560xi32, #tpu.memory_space<hbm>>
      %dma_wait3A_37 = tpu.memref_squeeze %dma_wait3A_36 : memref<1x2560xi32, #tpu.memory_space<hbm>> -> memref<2560xi32, #tpu.memory_space<hbm>>
      %dma_wait3A_38 = arith.constant 0 : i32
      %dma_wait3A_39 = tpu.memref_slice %arg3[%add3A, %dma_wait3A_38] : memref<32x2560xi32, #tpu.memory_space<hbm>> -> memref<1x2560xi32, #tpu.memory_space<hbm>>
      %dma_wait3A_40 = tpu.memref_squeeze %dma_wait3A_39 : memref<1x2560xi32, #tpu.memory_space<hbm>> -> memref<2560xi32, #tpu.memory_space<hbm>>
      tpu.wait_dma2 semaphore(%run_scoped3A : memref<!tpu.dma_semaphore, #tpu.memory_space<semaphore_mem>>) src(%dma_wait3A_40 : memref<2560xi32, #tpu.memory_space<hbm>>) dst(%arg7 : memref<2560xi32, #tpu.memory_space<vmem>>)
      tpu.yield
    }) : () -> ()
    "tpu.region"() ({
      %run_scoped3A = tpu.sem_alloc : memref<!tpu.dma_semaphore, #tpu.memory_space<semaphore_mem>>
      %dma_start3A = arith.constant 0 : i32
      %dma_start3A_31 = tpu.memref_slice %arg4[%add3A, %dma_start3A] : memref<32x2560xi32, #tpu.memory_space<hbm>> -> memref<1x2560xi32, #tpu.memory_space<hbm>>
      %dma_start3A_32 = tpu.memref_squeeze %dma_start3A_31 : memref<1x2560xi32, #tpu.memory_space<hbm>> -> memref<2560xi32, #tpu.memory_space<hbm>>
      %dma_start3A_33 = arith.constant 0 : i32
      %dma_start3A_34 = tpu.memref_slice %arg4[%add3A, %dma_start3A_33] : memref<32x2560xi32, #tpu.memory_space<hbm>> -> memref<1x2560xi32, #tpu.memory_space<hbm>>
      %dma_start3A_35 = tpu.memref_squeeze %dma_start3A_34 : memref<1x2560xi32, #tpu.memory_space<hbm>> -> memref<2560xi32, #tpu.memory_space<hbm>>
      tpu.enqueue_dma source(%dma_start3A_35 : memref<2560xi32, #tpu.memory_space<hbm>>) target(%arg8 : memref<2560xi32, #tpu.memory_space<vmem>>) target_semaphore(%run_scoped3A : memref<!tpu.dma_semaphore, #tpu.memory_space<semaphore_mem>>)
      %dma_wait3A = arith.constant 0 : i32
      %dma_wait3A_36 = tpu.memref_slice %arg4[%add3A, %dma_wait3A] : memref<32x2560xi32, #tpu.memory_space<hbm>> -> memref<1x2560xi32, #tpu.memory_space<hbm>>
      %dma_wait3A_37 = tpu.memref_squeeze %dma_wait3A_36 : memref<1x2560xi32, #tpu.memory_space<hbm>> -> memref<2560xi32, #tpu.memory_space<hbm>>
      %dma_wait3A_38 = arith.constant 0 : i32
      %dma_wait3A_39 = tpu.memref_slice %arg4[%add3A, %dma_wait3A_38] : memref<32x2560xi32, #tpu.memory_space<hbm>> -> memref<1x2560xi32, #tpu.memory_space<hbm>>
      %dma_wait3A_40 = tpu.memref_squeeze %dma_wait3A_39 : memref<1x2560xi32, #tpu.memory_space<hbm>> -> memref<2560xi32, #tpu.memory_space<hbm>>
      tpu.wait_dma2 semaphore(%run_scoped3A : memref<!tpu.dma_semaphore, #tpu.memory_space<semaphore_mem>>) src(%dma_wait3A_40 : memref<2560xi32, #tpu.memory_space<hbm>>) dst(%arg8 : memref<2560xi32, #tpu.memory_space<vmem>>)
      tpu.yield
    }) : () -> ()
    %iota3A = tpu.iota {dimensions = array<i32: 0>} : vector<16xi32>
    %broadcast_in_dim3A = arith.constant 0.000000e+00 : f32
    %broadcast_in_dim3A_17 = vector.broadcast %broadcast_in_dim3A : f32 to vector<16xf32>
    %scan3A = arith.constant 0 : i32
    %scan3A_18 = arith.constant 0 : i32
    %scan3A_19 = arith.constant 1064 : i32
    %scan3A_20 = arith.addi %scan3A_18, %scan3A_19 : i32
    %scan3A_21 = arith.constant 1 : i32
    %scan3A_22 = scf.for %scan3A_31 = %scan3A_18 to %scan3A_20 step %scan3A_21 iter_args(%scan3A_32 = %scan3A) -> (i32)  : i32 {
      %mul3A_33 = arith.constant 16 : i32
      %mul3A_34 = arith.muli %scan3A_31, %mul3A_33 : i32
      %add3A_35 = vector.broadcast %mul3A_34 : i32 to vector<16xi32>
      %add3A_36 = arith.addi %add3A_35, %iota3A : vector<16xi32>
      tpu.vector_store_idx %arg9[%add3A_36], %broadcast_in_dim3A_17 : memref<17024xf32, #tpu.memory_space<vmem>>[vector<16xi32>], vector<16xf32>,
      %scan3A_37 = arith.constant 0 : i32
      scf.yield %scan3A_37 : i32
    }
    %scan3A_23 = arith.constant 1064 : i32
    %scan3A_24 = arith.constant 0 : i32
    %scan3A_25 = arith.constant 0 : i32
    %scan3A_26 = arith.constant 256 : i32
    %scan3A_27 = arith.addi %scan3A_25, %scan3A_26 : i32
    %scan3A_28 = arith.constant 1 : i32
    %scan3A_29 = scf.for %scan3A_31 = %scan3A_25 to %scan3A_27 step %scan3A_28 iter_args(%scan3A_32 = %scan3A_24) -> (i32)  : i32 {
      %jit3A_33 = arith.constant 32 : i32
      %div3A_34 = arith.divsi %scan3A_31, %jit3A_33 : i32
      %sign3A_35 = arith.constant 0 : i32
      %sign3A_36 = arith.cmpi sgt, %scan3A_31, %sign3A_35 : i32
      %sign3A_37 = arith.extui %sign3A_36 : i1 to i32
      %sign3A_38 = arith.constant 0 : i32
      %sign3A_39 = arith.cmpi slt, %scan3A_31, %sign3A_38 : i32
      %sign3A_40 = arith.extui %sign3A_39 : i1 to i32
      %sign3A_41 = arith.subi %sign3A_37, %sign3A_40 : i32
      %sign3A_42 = arith.constant 0 : i32
      %sign3A_43 = arith.cmpi sgt, %jit3A_33, %sign3A_42 : i32
      %sign3A_44 = arith.extui %sign3A_43 : i1 to i32
      %sign3A_45 = arith.constant 0 : i32
      %sign3A_46 = arith.cmpi slt, %jit3A_33, %sign3A_45 : i32
      %sign3A_47 = arith.extui %sign3A_46 : i1 to i32
      %sign3A_48 = arith.subi %sign3A_44, %sign3A_47 : i32
      %ne3A_49 = arith.cmpi ne, %sign3A_41, %sign3A_48 : i32
      %rem3A_50 = arith.remsi %scan3A_31, %jit3A_33 : i32
      %ne3A_51 = arith.constant 0 : i32
      %ne3A_52 = arith.cmpi ne, %rem3A_50, %ne3A_51 : i32
      %and3A_53 = arith.andi %ne3A_49, %ne3A_52 : i1
      %sub3A_54 = arith.constant 1 : i32
      %sub3A_55 = arith.subi %div3A_34, %sub3A_54 : i32
      %select_n3A_56 = arith.select %and3A_53, %sub3A_55, %div3A_34 : i32
      %mul3A_57 = arith.constant 32 : i32
      %mul3A_58 = arith.muli %select_n3A_56, %mul3A_57 : i32
      %sub3A_59 = arith.subi %scan3A_31, %mul3A_58 : i32
      %mul3A_60 = arith.constant 1216 : i32
      %mul3A_61 = arith.muli %select_n3A_56, %mul3A_60 : i32
      %mul3A_62 = arith.constant 32 : i32
      %mul3A_63 = arith.muli %sub3A_59, %mul3A_62 : i32
      %add3A_64 = arith.addi %mul3A_61, %mul3A_63 : i32
      %mul3A_65 = arith.constant 10 : i32
      %mul3A_66 = arith.muli %scan3A_31, %mul3A_65 : i32
      %get3A = arith.index_cast %mul3A_66 : i32 to index
      %get3A_67 = tpu.vector_load %arg7[%get3A] {strides = array<i32>} : memref<2560xi32, #tpu.memory_space<vmem>>, vector<16xi32>,
      %mul3A_68 = arith.constant 10 : i32
      %mul3A_69 = arith.muli %scan3A_31, %mul3A_68 : i32
      %get3A_70 = arith.index_cast %mul3A_69 : i32 to index
      %get3A_71 = tpu.vector_load %arg8[%get3A_70] {strides = array<i32>} : memref<2560xi32, #tpu.memory_space<vmem>>, vector<16xi32>,
      %slice3A = vector.extract_strided_slice %get3A_67 {offsets = [0], sizes = [1], strides = [1]} : vector<16xi32> to vector<1xi32>
      %squeeze3A = vector.extract %slice3A[0] : i32 from vector<1xi32>
      %slice3A_72 = vector.extract_strided_slice %get3A_67 {offsets = [1], sizes = [1], strides = [1]} : vector<16xi32> to vector<1xi32>
      %squeeze3A_73 = vector.extract %slice3A_72[0] : i32 from vector<1xi32>
      %slice3A_74 = vector.extract_strided_slice %get3A_67 {offsets = [2], sizes = [1], strides = [1]} : vector<16xi32> to vector<1xi32>
      %squeeze3A_75 = vector.extract %slice3A_74[0] : i32 from vector<1xi32>
      %slice3A_76 = vector.extract_strided_slice %get3A_67 {offsets = [3], sizes = [1], strides = [1]} : vector<16xi32> to vector<1xi32>
      %squeeze3A_77 = vector.extract %slice3A_76[0] : i32 from vector<1xi32>
      %slice3A_78 = vector.extract_strided_slice %get3A_67 {offsets = [4], sizes = [1], strides = [1]} : vector<16xi32> to vector<1xi32>
      %squeeze3A_79 = vector.extract %slice3A_78[0] : i32 from vector<1xi32>
      %slice3A_80 = vector.extract_strided_slice %get3A_67 {offsets = [5], sizes = [1], strides = [1]} : vector<16xi32> to vector<1xi32>
      %squeeze3A_81 = vector.extract %slice3A_80[0] : i32 from vector<1xi32>
      %slice3A_82 = vector.extract_strided_slice %get3A_67 {offsets = [6], sizes = [1], strides = [1]} : vector<16xi32> to vector<1xi32>
      %squeeze3A_83 = vector.extract %slice3A_82[0] : i32 from vector<1xi32>
      %slice3A_84 = vector.extract_strided_slice %get3A_67 {offsets = [7], sizes = [1], strides = [1]} : vector<16xi32> to vector<1xi32>
      %squeeze3A_85 = vector.extract %slice3A_84[0] : i32 from vector<1xi32>
      %slice3A_86 = vector.extract_strided_slice %get3A_67 {offsets = [8], sizes = [1], strides = [1]} : vector<16xi32> to vector<1xi32>
      %squeeze3A_87 = vector.extract %slice3A_86[0] : i32 from vector<1xi32>
      %slice3A_88 = vector.extract_strided_slice %get3A_67 {offsets = [9], sizes = [1], strides = [1]} : vector<16xi32> to vector<1xi32>
      %squeeze3A_89 = vector.extract %slice3A_88[0] : i32 from vector<1xi32>
      %slice3A_90 = vector.extract_strided_slice %get3A_71 {offsets = [0], sizes = [1], strides = [1]} : vector<16xi32> to vector<1xi32>
      %squeeze3A_91 = vector.extract %slice3A_90[0] : i32 from vector<1xi32>
      %broadcast_in_dim3A_92 = vector.broadcast %squeeze3A_91 : i32 to vector<16xi32>
      %bitcast3A = vector.bitcast %broadcast_in_dim3A_92 : vector<16xi32> to vector<32xbf16>
      %slice3A_93 = vector.extract_strided_slice %get3A_71 {offsets = [1], sizes = [1], strides = [1]} : vector<16xi32> to vector<1xi32>
      %squeeze3A_94 = vector.extract %slice3A_93[0] : i32 from vector<1xi32>
      %broadcast_in_dim3A_95 = vector.broadcast %squeeze3A_94 : i32 to vector<16xi32>
      %bitcast3A_96 = vector.bitcast %broadcast_in_dim3A_95 : vector<16xi32> to vector<32xbf16>
      %slice3A_97 = vector.extract_strided_slice %get3A_71 {offsets = [2], sizes = [1], strides = [1]} : vector<16xi32> to vector<1xi32>
      %squeeze3A_98 = vector.extract %slice3A_97[0] : i32 from vector<1xi32>
      %broadcast_in_dim3A_99 = vector.broadcast %squeeze3A_98 : i32 to vector<16xi32>
      %bitcast3A_100 = vector.bitcast %broadcast_in_dim3A_99 : vector<16xi32> to vector<32xbf16>
      %slice3A_101 = vector.extract_strided_slice %get3A_71 {offsets = [3], sizes = [1], strides = [1]} : vector<16xi32> to vector<1xi32>
      %squeeze3A_102 = vector.extract %slice3A_101[0] : i32 from vector<1xi32>
      %broadcast_in_dim3A_103 = vector.broadcast %squeeze3A_102 : i32 to vector<16xi32>
      %bitcast3A_104 = vector.bitcast %broadcast_in_dim3A_103 : vector<16xi32> to vector<32xbf16>
      %slice3A_105 = vector.extract_strided_slice %get3A_71 {offsets = [4], sizes = [1], strides = [1]} : vector<16xi32> to vector<1xi32>
      %squeeze3A_106 = vector.extract %slice3A_105[0] : i32 from vector<1xi32>
      %broadcast_in_dim3A_107 = vector.broadcast %squeeze3A_106 : i32 to vector<16xi32>
      %bitcast3A_108 = vector.bitcast %broadcast_in_dim3A_107 : vector<16xi32> to vector<32xbf16>
      %slice3A_109 = vector.extract_strided_slice %get3A_71 {offsets = [5], sizes = [1], strides = [1]} : vector<16xi32> to vector<1xi32>
      %squeeze3A_110 = vector.extract %slice3A_109[0] : i32 from vector<1xi32>
      %broadcast_in_dim3A_111 = vector.broadcast %squeeze3A_110 : i32 to vector<16xi32>
      %bitcast3A_112 = vector.bitcast %broadcast_in_dim3A_111 : vector<16xi32> to vector<32xbf16>
      %slice3A_113 = vector.extract_strided_slice %get3A_71 {offsets = [6], sizes = [1], strides = [1]} : vector<16xi32> to vector<1xi32>
      %squeeze3A_114 = vector.extract %slice3A_113[0] : i32 from vector<1xi32>
      %broadcast_in_dim3A_115 = vector.broadcast %squeeze3A_114 : i32 to vector<16xi32>
      %bitcast3A_116 = vector.bitcast %broadcast_in_dim3A_115 : vector<16xi32> to vector<32xbf16>
      %slice3A_117 = vector.extract_strided_slice %get3A_71 {offsets = [7], sizes = [1], strides = [1]} : vector<16xi32> to vector<1xi32>
      %squeeze3A_118 = vector.extract %slice3A_117[0] : i32 from vector<1xi32>
      %broadcast_in_dim3A_119 = vector.broadcast %squeeze3A_118 : i32 to vector<16xi32>
      %bitcast3A_120 = vector.bitcast %broadcast_in_dim3A_119 : vector<16xi32> to vector<32xbf16>
      %slice3A_121 = vector.extract_strided_slice %get3A_71 {offsets = [8], sizes = [1], strides = [1]} : vector<16xi32> to vector<1xi32>
      %squeeze3A_122 = vector.extract %slice3A_121[0] : i32 from vector<1xi32>
      %broadcast_in_dim3A_123 = vector.broadcast %squeeze3A_122 : i32 to vector<16xi32>
      %bitcast3A_124 = vector.bitcast %broadcast_in_dim3A_123 : vector<16xi32> to vector<32xbf16>
      %slice3A_125 = vector.extract_strided_slice %get3A_71 {offsets = [9], sizes = [1], strides = [1]} : vector<16xi32> to vector<1xi32>
      %squeeze3A_126 = vector.extract %slice3A_125[0] : i32 from vector<1xi32>
      %broadcast_in_dim3A_127 = vector.broadcast %squeeze3A_126 : i32 to vector<16xi32>
      %bitcast3A_128 = vector.bitcast %broadcast_in_dim3A_127 : vector<16xi32> to vector<32xbf16>
      %parallel_loop3A = arith.constant 0 : i32
      %parallel_loop3A_129 = arith.constant 7 : i32
      %parallel_loop3A_130 = arith.constant 1 : i32
      scf.for %parallel_loop3A_132 = %parallel_loop3A to %parallel_loop3A_129 step %parallel_loop3A_130  : i32 {
        %parallel_loop3A_133 = arith.constant 608 : i32
        %parallel_loop3A_134 = arith.muli %parallel_loop3A_132, %parallel_loop3A_133 : i32
        %parallel_loop3A_135 = arith.constant 0 : i32
        %parallel_loop3A_136 = arith.addi %parallel_loop3A_134, %parallel_loop3A_135 : i32
        %parallel_loop3A_137 = arith.addi %squeeze3A, %parallel_loop3A_136 : i32
        %parallel_loop3A_138 = arith.index_cast %parallel_loop3A_137 : i32 to index
        %parallel_loop3A_139 = tpu.vector_load %arg6[%parallel_loop3A_138] {strides = array<i32>} : memref<46208xi32, #tpu.memory_space<vmem>>, vector<16xi32>,
        %parallel_loop3A_140 = vector.bitcast %parallel_loop3A_139 : vector<16xi32> to vector<32xbf16>
        %parallel_loop3A_141 = arith.mulf %parallel_loop3A_140, %bitcast3A : vector<32xbf16>
        %parallel_loop3A_142 = arith.addi %squeeze3A_73, %parallel_loop3A_136 : i32
        %parallel_loop3A_143 = arith.index_cast %parallel_loop3A_142 : i32 to index
        %parallel_loop3A_144 = tpu.vector_load %arg6[%parallel_loop3A_143] {strides = array<i32>} : memref<46208xi32, #tpu.memory_space<vmem>>, vector<16xi32>,
        %parallel_loop3A_145 = vector.bitcast %parallel_loop3A_144 : vector<16xi32> to vector<32xbf16>
        %parallel_loop3A_146 = arith.mulf %parallel_loop3A_145, %bitcast3A_96 : vector<32xbf16>
        %parallel_loop3A_147 = arith.addi %squeeze3A_75, %parallel_loop3A_136 : i32
        %parallel_loop3A_148 = arith.index_cast %parallel_loop3A_147 : i32 to index
        %parallel_loop3A_149 = tpu.vector_load %arg6[%parallel_loop3A_148] {strides = array<i32>} : memref<46208xi32, #tpu.memory_space<vmem>>, vector<16xi32>,
        %parallel_loop3A_150 = vector.bitcast %parallel_loop3A_149 : vector<16xi32> to vector<32xbf16>
        %parallel_loop3A_151 = arith.mulf %parallel_loop3A_150, %bitcast3A_100 : vector<32xbf16>
        %parallel_loop3A_152 = arith.addf %parallel_loop3A_141, %parallel_loop3A_151 : vector<32xbf16>
        %parallel_loop3A_153 = arith.addi %squeeze3A_77, %parallel_loop3A_136 : i32
        %parallel_loop3A_154 = arith.index_cast %parallel_loop3A_153 : i32 to index
        %parallel_loop3A_155 = tpu.vector_load %arg6[%parallel_loop3A_154] {strides = array<i32>} : memref<46208xi32, #tpu.memory_space<vmem>>, vector<16xi32>,
        %parallel_loop3A_156 = vector.bitcast %parallel_loop3A_155 : vector<16xi32> to vector<32xbf16>
        %parallel_loop3A_157 = arith.mulf %parallel_loop3A_156, %bitcast3A_104 : vector<32xbf16>
        %parallel_loop3A_158 = arith.addf %parallel_loop3A_146, %parallel_loop3A_157 : vector<32xbf16>
        %parallel_loop3A_159 = arith.addi %squeeze3A_79, %parallel_loop3A_136 : i32
        %parallel_loop3A_160 = arith.index_cast %parallel_loop3A_159 : i32 to index
        %parallel_loop3A_161 = tpu.vector_load %arg6[%parallel_loop3A_160] {strides = array<i32>} : memref<46208xi32, #tpu.memory_space<vmem>>, vector<16xi32>,
        %parallel_loop3A_162 = vector.bitcast %parallel_loop3A_161 : vector<16xi32> to vector<32xbf16>
        %parallel_loop3A_163 = arith.mulf %parallel_loop3A_162, %bitcast3A_108 : vector<32xbf16>
        %parallel_loop3A_164 = arith.addf %parallel_loop3A_152, %parallel_loop3A_163 : vector<32xbf16>
        %parallel_loop3A_165 = arith.addi %squeeze3A_81, %parallel_loop3A_136 : i32
        %parallel_loop3A_166 = arith.index_cast %parallel_loop3A_165 : i32 to index
        %parallel_loop3A_167 = tpu.vector_load %arg6[%parallel_loop3A_166] {strides = array<i32>} : memref<46208xi32, #tpu.memory_space<vmem>>, vector<16xi32>,
        %parallel_loop3A_168 = vector.bitcast %parallel_loop3A_167 : vector<16xi32> to vector<32xbf16>
        %parallel_loop3A_169 = arith.mulf %parallel_loop3A_168, %bitcast3A_112 : vector<32xbf16>
        %parallel_loop3A_170 = arith.addf %parallel_loop3A_158, %parallel_loop3A_169 : vector<32xbf16>
        %parallel_loop3A_171 = arith.addi %squeeze3A_83, %parallel_loop3A_136 : i32
        %parallel_loop3A_172 = arith.index_cast %parallel_loop3A_171 : i32 to index
        %parallel_loop3A_173 = tpu.vector_load %arg6[%parallel_loop3A_172] {strides = array<i32>} : memref<46208xi32, #tpu.memory_space<vmem>>, vector<16xi32>,
        %parallel_loop3A_174 = vector.bitcast %parallel_loop3A_173 : vector<16xi32> to vector<32xbf16>
        %parallel_loop3A_175 = arith.mulf %parallel_loop3A_174, %bitcast3A_116 : vector<32xbf16>
        %parallel_loop3A_176 = arith.addf %parallel_loop3A_164, %parallel_loop3A_175 : vector<32xbf16>
        %parallel_loop3A_177 = arith.addi %squeeze3A_85, %parallel_loop3A_136 : i32
        %parallel_loop3A_178 = arith.index_cast %parallel_loop3A_177 : i32 to index
        %parallel_loop3A_179 = tpu.vector_load %arg6[%parallel_loop3A_178] {strides = array<i32>} : memref<46208xi32, #tpu.memory_space<vmem>>, vector<16xi32>,
        %parallel_loop3A_180 = vector.bitcast %parallel_loop3A_179 : vector<16xi32> to vector<32xbf16>
        %parallel_loop3A_181 = arith.mulf %parallel_loop3A_180, %bitcast3A_120 : vector<32xbf16>
        %parallel_loop3A_182 = arith.addf %parallel_loop3A_170, %parallel_loop3A_181 : vector<32xbf16>
        %parallel_loop3A_183 = arith.addi %squeeze3A_87, %parallel_loop3A_136 : i32
        %parallel_loop3A_184 = arith.index_cast %parallel_loop3A_183 : i32 to index
        %parallel_loop3A_185 = tpu.vector_load %arg6[%parallel_loop3A_184] {strides = array<i32>} : memref<46208xi32, #tpu.memory_space<vmem>>, vector<16xi32>,
        %parallel_loop3A_186 = vector.bitcast %parallel_loop3A_185 : vector<16xi32> to vector<32xbf16>
        %parallel_loop3A_187 = arith.mulf %parallel_loop3A_186, %bitcast3A_124 : vector<32xbf16>
        %parallel_loop3A_188 = arith.addf %parallel_loop3A_176, %parallel_loop3A_187 : vector<32xbf16>
        %parallel_loop3A_189 = arith.addi %squeeze3A_89, %parallel_loop3A_136 : i32
        %parallel_loop3A_190 = arith.index_cast %parallel_loop3A_189 : i32 to index
        %parallel_loop3A_191 = tpu.vector_load %arg6[%parallel_loop3A_190] {strides = array<i32>} : memref<46208xi32, #tpu.memory_space<vmem>>, vector<16xi32>,
        %parallel_loop3A_192 = vector.bitcast %parallel_loop3A_191 : vector<16xi32> to vector<32xbf16>
        %parallel_loop3A_193 = arith.mulf %parallel_loop3A_192, %bitcast3A_128 : vector<32xbf16>
        %parallel_loop3A_194 = arith.addf %parallel_loop3A_182, %parallel_loop3A_193 : vector<32xbf16>
        %parallel_loop3A_195 = arith.addf %parallel_loop3A_188, %parallel_loop3A_194 : vector<32xbf16>
        %parallel_loop3A_196 = tpu.unpack_subelements %parallel_loop3A_195, 0 {pack_format = #tpu.pack_format<interleaved>} : vector<32xbf16> -> vector<16xf32>
        %parallel_loop3A_197 = tpu.unpack_subelements %parallel_loop3A_195, 1 {pack_format = #tpu.pack_format<interleaved>} : vector<32xbf16> -> vector<16xf32>
        %parallel_loop3A_198 = arith.constant 1216 : i32
        %parallel_loop3A_199 = arith.muli %parallel_loop3A_132, %parallel_loop3A_198 : i32
        %parallel_loop3A_200 = arith.addi %add3A_64, %parallel_loop3A_199 : i32
        %parallel_loop3A_201 = arith.constant 0 : i32
        %parallel_loop3A_202 = arith.addi %parallel_loop3A_200, %parallel_loop3A_201 : i32
        %parallel_loop3A_203 = arith.index_cast %parallel_loop3A_202 : i32 to index
        %parallel_loop3A_204 = tpu.vector_load %arg9[%parallel_loop3A_203] {strides = array<i32>} : memref<17024xf32, #tpu.memory_space<vmem>>, vector<16xf32>,
        tpu.vector_store %arg9[%parallel_loop3A_203], %parallel_loop3A_196 {add = true, strides = array<i32>} : memref<17024xf32, #tpu.memory_space<vmem>>, vector<16xf32>,
        %parallel_loop3A_205 = arith.constant 16 : i32
        %parallel_loop3A_206 = arith.addi %parallel_loop3A_202, %parallel_loop3A_205 : i32
        %parallel_loop3A_207 = arith.index_cast %parallel_loop3A_206 : i32 to index
        %parallel_loop3A_208 = tpu.vector_load %arg9[%parallel_loop3A_207] {strides = array<i32>} : memref<17024xf32, #tpu.memory_space<vmem>>, vector<16xf32>,
        tpu.vector_store %arg9[%parallel_loop3A_207], %parallel_loop3A_197 {add = true, strides = array<i32>} : memref<17024xf32, #tpu.memory_space<vmem>>, vector<16xf32>,
        %parallel_loop3A_209 = arith.constant 16 : i32
        %parallel_loop3A_210 = arith.addi %parallel_loop3A_134, %parallel_loop3A_209 : i32
        %parallel_loop3A_211 = arith.addi %squeeze3A, %parallel_loop3A_210 : i32
        %parallel_loop3A_212 = arith.index_cast %parallel_loop3A_211 : i32 to index
        %parallel_loop3A_213 = tpu.vector_load %arg6[%parallel_loop3A_212] {strides = array<i32>} : memref<46208xi32, #tpu.memory_space<vmem>>, vector<16xi32>,
        %parallel_loop3A_214 = vector.bitcast %parallel_loop3A_213 : vector<16xi32> to vector<32xbf16>
        %parallel_loop3A_215 = arith.mulf %parallel_loop3A_214, %bitcast3A : vector<32xbf16>
        %parallel_loop3A_216 = arith.addi %squeeze3A_73, %parallel_loop3A_210 : i32
        %parallel_loop3A_217 = arith.index_cast %parallel_loop3A_216 : i32 to index
        %parallel_loop3A_218 = tpu.vector_load %arg6[%parallel_loop3A_217] {strides = array<i32>} : memref<46208xi32, #tpu.memory_space<vmem>>, vector<16xi32>,
        %parallel_loop3A_219 = vector.bitcast %parallel_loop3A_218 : vector<16xi32> to vector<32xbf16>
        %parallel_loop3A_220 = arith.mulf %parallel_loop3A_219, %bitcast3A_96 : vector<32xbf16>
        %parallel_loop3A_221 = arith.addi %squeeze3A_75, %parallel_loop3A_210 : i32
        %parallel_loop3A_222 = arith.index_cast %parallel_loop3A_221 : i32 to index
        %parallel_loop3A_223 = tpu.vector_load %arg6[%parallel_loop3A_222] {strides = array<i32>} : memref<46208xi32, #tpu.memory_space<vmem>>, vector<16xi32>,
        %parallel_loop3A_224 = vector.bitcast %parallel_loop3A_223 : vector<16xi32> to vector<32xbf16>
        %parallel_loop3A_225 = arith.mulf %parallel_loop3A_224, %bitcast3A_100 : vector<32xbf16>
        %parallel_loop3A_226 = arith.addf %parallel_loop3A_215, %parallel_loop3A_225 : vector<32xbf16>
        %parallel_loop3A_227 = arith.addi %squeeze3A_77, %parallel_loop3A_210 : i32
        %parallel_loop3A_228 = arith.index_cast %parallel_loop3A_227 : i32 to index
        %parallel_loop3A_229 = tpu.vector_load %arg6[%parallel_loop3A_228] {strides = array<i32>} : memref<46208xi32, #tpu.memory_space<vmem>>, vector<16xi32>,
        %parallel_loop3A_230 = vector.bitcast %parallel_loop3A_229 : vector<16xi32> to vector<32xbf16>
        %parallel_loop3A_231 = arith.mulf %parallel_loop3A_230, %bitcast3A_104 : vector<32xbf16>
        %parallel_loop3A_232 = arith.addf %parallel_loop3A_220, %parallel_loop3A_231 : vector<32xbf16>
        %parallel_loop3A_233 = arith.addi %squeeze3A_79, %parallel_loop3A_210 : i32
        %parallel_loop3A_234 = arith.index_cast %parallel_loop3A_233 : i32 to index
        %parallel_loop3A_235 = tpu.vector_load %arg6[%parallel_loop3A_234] {strides = array<i32>} : memref<46208xi32, #tpu.memory_space<vmem>>, vector<16xi32>,
        %parallel_loop3A_236 = vector.bitcast %parallel_loop3A_235 : vector<16xi32> to vector<32xbf16>
        %parallel_loop3A_237 = arith.mulf %parallel_loop3A_236, %bitcast3A_108 : vector<32xbf16>
        %parallel_loop3A_238 = arith.addf %parallel_loop3A_226, %parallel_loop3A_237 : vector<32xbf16>
        %parallel_loop3A_239 = arith.addi %squeeze3A_81, %parallel_loop3A_210 : i32
        %parallel_loop3A_240 = arith.index_cast %parallel_loop3A_239 : i32 to index
        %parallel_loop3A_241 = tpu.vector_load %arg6[%parallel_loop3A_240] {strides = array<i32>} : memref<46208xi32, #tpu.memory_space<vmem>>, vector<16xi32>,
        %parallel_loop3A_242 = vector.bitcast %parallel_loop3A_241 : vector<16xi32> to vector<32xbf16>
        %parallel_loop3A_243 = arith.mulf %parallel_loop3A_242, %bitcast3A_112 : vector<32xbf16>
        %parallel_loop3A_244 = arith.addf %parallel_loop3A_232, %parallel_loop3A_243 : vector<32xbf16>
        %parallel_loop3A_245 = arith.addi %squeeze3A_83, %parallel_loop3A_210 : i32
        %parallel_loop3A_246 = arith.index_cast %parallel_loop3A_245 : i32 to index
        %parallel_loop3A_247 = tpu.vector_load %arg6[%parallel_loop3A_246] {strides = array<i32>} : memref<46208xi32, #tpu.memory_space<vmem>>, vector<16xi32>,
        %parallel_loop3A_248 = vector.bitcast %parallel_loop3A_247 : vector<16xi32> to vector<32xbf16>
        %parallel_loop3A_249 = arith.mulf %parallel_loop3A_248, %bitcast3A_116 : vector<32xbf16>
        %parallel_loop3A_250 = arith.addf %parallel_loop3A_238, %parallel_loop3A_249 : vector<32xbf16>
        %parallel_loop3A_251 = arith.addi %squeeze3A_85, %parallel_loop3A_210 : i32
        %parallel_loop3A_252 = arith.index_cast %parallel_loop3A_251 : i32 to index
        %parallel_loop3A_253 = tpu.vector_load %arg6[%parallel_loop3A_252] {strides = array<i32>} : memref<46208xi32, #tpu.memory_space<vmem>>, vector<16xi32>,
        %parallel_loop3A_254 = vector.bitcast %parallel_loop3A_253 : vector<16xi32> to vector<32xbf16>
        %parallel_loop3A_255 = arith.mulf %parallel_loop3A_254, %bitcast3A_120 : vector<32xbf16>
        %parallel_loop3A_256 = arith.addf %parallel_loop3A_244, %parallel_loop3A_255 : vector<32xbf16>
        %parallel_loop3A_257 = arith.addi %squeeze3A_87, %parallel_loop3A_210 : i32
        %parallel_loop3A_258 = arith.index_cast %parallel_loop3A_257 : i32 to index
        %parallel_loop3A_259 = tpu.vector_load %arg6[%parallel_loop3A_258] {strides = array<i32>} : memref<46208xi32, #tpu.memory_space<vmem>>, vector<16xi32>,
        %parallel_loop3A_260 = vector.bitcast %parallel_loop3A_259 : vector<16xi32> to vector<32xbf16>
        %parallel_loop3A_261 = arith.mulf %parallel_loop3A_260, %bitcast3A_124 : vector<32xbf16>
        %parallel_loop3A_262 = arith.addf %parallel_loop3A_250, %parallel_loop3A_261 : vector<32xbf16>
        %parallel_loop3A_263 = arith.addi %squeeze3A_89, %parallel_loop3A_210 : i32
        %parallel_loop3A_264 = arith.index_cast %parallel_loop3A_263 : i32 to index
        %parallel_loop3A_265 = tpu.vector_load %arg6[%parallel_loop3A_264] {strides = array<i32>} : memref<46208xi32, #tpu.memory_space<vmem>>, vector<16xi32>,
        %parallel_loop3A_266 = vector.bitcast %parallel_loop3A_265 : vector<16xi32> to vector<32xbf16>
        %parallel_loop3A_267 = arith.mulf %parallel_loop3A_266, %bitcast3A_128 : vector<32xbf16>
        %parallel_loop3A_268 = arith.addf %parallel_loop3A_256, %parallel_loop3A_267 : vector<32xbf16>
        %parallel_loop3A_269 = arith.addf %parallel_loop3A_262, %parallel_loop3A_268 : vector<32xbf16>
        %parallel_loop3A_270 = tpu.unpack_subelements %parallel_loop3A_269, 0 {pack_format = #tpu.pack_format<interleaved>} : vector<32xbf16> -> vector<16xf32>
        %parallel_loop3A_271 = tpu.unpack_subelements %parallel_loop3A_269, 1 {pack_format = #tpu.pack_format<interleaved>} : vector<32xbf16> -> vector<16xf32>
        %parallel_loop3A_272 = arith.constant 1216 : i32
        %parallel_loop3A_273 = arith.muli %parallel_loop3A_132, %parallel_loop3A_272 : i32
        %parallel_loop3A_274 = arith.addi %add3A_64, %parallel_loop3A_273 : i32
        %parallel_loop3A_275 = arith.constant 32 : i32
        %parallel_loop3A_276 = arith.addi %parallel_loop3A_274, %parallel_loop3A_275 : i32
        %parallel_loop3A_277 = arith.index_cast %parallel_loop3A_276 : i32 to index
        %parallel_loop3A_278 = tpu.vector_load %arg9[%parallel_loop3A_277] {strides = array<i32>} : memref<17024xf32, #tpu.memory_space<vmem>>, vector<16xf32>,
        tpu.vector_store %arg9[%parallel_loop3A_277], %parallel_loop3A_270 {add = true, strides = array<i32>} : memref<17024xf32, #tpu.memory_space<vmem>>, vector<16xf32>,
        %parallel_loop3A_279 = arith.constant 16 : i32
        %parallel_loop3A_280 = arith.addi %parallel_loop3A_276, %parallel_loop3A_279 : i32
        %parallel_loop3A_281 = arith.index_cast %parallel_loop3A_280 : i32 to index
        %parallel_loop3A_282 = tpu.vector_load %arg9[%parallel_loop3A_281] {strides = array<i32>} : memref<17024xf32, #tpu.memory_space<vmem>>, vector<16xf32>,
        tpu.vector_store %arg9[%parallel_loop3A_281], %parallel_loop3A_271 {add = true, strides = array<i32>} : memref<17024xf32, #tpu.memory_space<vmem>>, vector<16xf32>,
        %parallel_loop3A_283 = arith.constant 32 : i32
        %parallel_loop3A_284 = arith.addi %parallel_loop3A_134, %parallel_loop3A_283 : i32
        %parallel_loop3A_285 = arith.addi %squeeze3A, %parallel_loop3A_284 : i32
        %parallel_loop3A_286 = arith.index_cast %parallel_loop3A_285 : i32 to index
        %parallel_loop3A_287 = tpu.vector_load %arg6[%parallel_loop3A_286] {strides = array<i32>} : memref<46208xi32, #tpu.memory_space<vmem>>, vector<16xi32>,
        %parallel_loop3A_288 = vector.bitcast %parallel_loop3A_287 : vector<16xi32> to vector<32xbf16>
        %parallel_loop3A_289 = arith.mulf %parallel_loop3A_288, %bitcast3A : vector<32xbf16>
        %parallel_loop3A_290 = arith.addi %squeeze3A_73, %parallel_loop3A_284 : i32
        %parallel_loop3A_291 = arith.index_cast %parallel_loop3A_290 : i32 to index
        %parallel_loop3A_292 = tpu.vector_load %arg6[%parallel_loop3A_291] {strides = array<i32>} : memref<46208xi32, #tpu.memory_space<vmem>>, vector<16xi32>,
        %parallel_loop3A_293 = vector.bitcast %parallel_loop3A_292 : vector<16xi32> to vector<32xbf16>
        %parallel_loop3A_294 = arith.mulf %parallel_loop3A_293, %bitcast3A_96 : vector<32xbf16>
        %parallel_loop3A_295 = arith.addi %squeeze3A_75, %parallel_loop3A_284 : i32
        %parallel_loop3A_296 = arith.index_cast %parallel_loop3A_295 : i32 to index
        %parallel_loop3A_297 = tpu.vector_load %arg6[%parallel_loop3A_296] {strides = array<i32>} : memref<46208xi32, #tpu.memory_space<vmem>>, vector<16xi32>,
        %parallel_loop3A_298 = vector.bitcast %parallel_loop3A_297 : vector<16xi32> to vector<32xbf16>
        %parallel_loop3A_299 = arith.mulf %parallel_loop3A_298, %bitcast3A_100 : vector<32xbf16>
        %parallel_loop3A_300 = arith.addf %parallel_loop3A_289, %parallel_loop3A_299 : vector<32xbf16>
        %parallel_loop3A_301 = arith.addi %squeeze3A_77, %parallel_loop3A_284 : i32
        %parallel_loop3A_302 = arith.index_cast %parallel_loop3A_301 : i32 to index
        %parallel_loop3A_303 = tpu.vector_load %arg6[%parallel_loop3A_302] {strides = array<i32>} : memref<46208xi32, #tpu.memory_space<vmem>>, vector<16xi32>,
        %parallel_loop3A_304 = vector.bitcast %parallel_loop3A_303 : vector<16xi32> to vector<32xbf16>
        %parallel_loop3A_305 = arith.mulf %parallel_loop3A_304, %bitcast3A_104 : vector<32xbf16>
        %parallel_loop3A_306 = arith.addf %parallel_loop3A_294, %parallel_loop3A_305 : vector<32xbf16>
        %parallel_loop3A_307 = arith.addi %squeeze3A_79, %parallel_loop3A_284 : i32
        %parallel_loop3A_308 = arith.index_cast %parallel_loop3A_307 : i32 to index
        %parallel_loop3A_309 = tpu.vector_load %arg6[%parallel_loop3A_308] {strides = array<i32>} : memref<46208xi32, #tpu.memory_space<vmem>>, vector<16xi32>,
        %parallel_loop3A_310 = vector.bitcast %parallel_loop3A_309 : vector<16xi32> to vector<32xbf16>
        %parallel_loop3A_311 = arith.mulf %parallel_loop3A_310, %bitcast3A_108 : vector<32xbf16>
        %parallel_loop3A_312 = arith.addf %parallel_loop3A_300, %parallel_loop3A_311 : vector<32xbf16>
        %parallel_loop3A_313 = arith.addi %squeeze3A_81, %parallel_loop3A_284 : i32
        %parallel_loop3A_314 = arith.index_cast %parallel_loop3A_313 : i32 to index
        %parallel_loop3A_315 = tpu.vector_load %arg6[%parallel_loop3A_314] {strides = array<i32>} : memref<46208xi32, #tpu.memory_space<vmem>>, vector<16xi32>,
        %parallel_loop3A_316 = vector.bitcast %parallel_loop3A_315 : vector<16xi32> to vector<32xbf16>
        %parallel_loop3A_317 = arith.mulf %parallel_loop3A_316, %bitcast3A_112 : vector<32xbf16>
        %parallel_loop3A_318 = arith.addf %parallel_loop3A_306, %parallel_loop3A_317 : vector<32xbf16>
        %parallel_loop3A_319 = arith.addi %squeeze3A_83, %parallel_loop3A_284 : i32
        %parallel_loop3A_320 = arith.index_cast %parallel_loop3A_319 : i32 to index
        %parallel_loop3A_321 = tpu.vector_load %arg6[%parallel_loop3A_320] {strides = array<i32>} : memref<46208xi32, #tpu.memory_space<vmem>>, vector<16xi32>,
        %parallel_loop3A_322 = vector.bitcast %parallel_loop3A_321 : vector<16xi32> to vector<32xbf16>
        %parallel_loop3A_323 = arith.mulf %parallel_loop3A_322, %bitcast3A_116 : vector<32xbf16>
        %parallel_loop3A_324 = arith.addf %parallel_loop3A_312, %parallel_loop3A_323 : vector<32xbf16>
        %parallel_loop3A_325 = arith.addi %squeeze3A_85, %parallel_loop3A_284 : i32
        %parallel_loop3A_326 = arith.index_cast %parallel_loop3A_325 : i32 to index
        %parallel_loop3A_327 = tpu.vector_load %arg6[%parallel_loop3A_326] {strides = array<i32>} : memref<46208xi32, #tpu.memory_space<vmem>>, vector<16xi32>,
        %parallel_loop3A_328 = vector.bitcast %parallel_loop3A_327 : vector<16xi32> to vector<32xbf16>
        %parallel_loop3A_329 = arith.mulf %parallel_loop3A_328, %bitcast3A_120 : vector<32xbf16>
        %parallel_loop3A_330 = arith.addf %parallel_loop3A_318, %parallel_loop3A_329 : vector<32xbf16>
        %parallel_loop3A_331 = arith.addi %squeeze3A_87, %parallel_loop3A_284 : i32
        %parallel_loop3A_332 = arith.index_cast %parallel_loop3A_331 : i32 to index
        %parallel_loop3A_333 = tpu.vector_load %arg6[%parallel_loop3A_332] {strides = array<i32>} : memref<46208xi32, #tpu.memory_space<vmem>>, vector<16xi32>,
        %parallel_loop3A_334 = vector.bitcast %parallel_loop3A_333 : vector<16xi32> to vector<32xbf16>
        %parallel_loop3A_335 = arith.mulf %parallel_loop3A_334, %bitcast3A_124 : vector<32xbf16>
        %parallel_loop3A_336 = arith.addf %parallel_loop3A_324, %parallel_loop3A_335 : vector<32xbf16>
        %parallel_loop3A_337 = arith.addi %squeeze3A_89, %parallel_loop3A_284 : i32
        %parallel_loop3A_338 = arith.index_cast %parallel_loop3A_337 : i32 to index
        %parallel_loop3A_339 = tpu.vector_load %arg6[%parallel_loop3A_338] {strides = array<i32>} : memref<46208xi32, #tpu.memory_space<vmem>>, vector<16xi32>,
        %parallel_loop3A_340 = vector.bitcast %parallel_loop3A_339 : vector<16xi32> to vector<32xbf16>
        %parallel_loop3A_341 = arith.mulf %parallel_loop3A_340, %bitcast3A_128 : vector<32xbf16>
        %parallel_loop3A_342 = arith.addf %parallel_loop3A_330, %parallel_loop3A_341 : vector<32xbf16>
        %parallel_loop3A_343 = arith.addf %parallel_loop3A_336, %parallel_loop3A_342 : vector<32xbf16>
        %parallel_loop3A_344 = tpu.unpack_subelements %parallel_loop3A_343, 0 {pack_format = #tpu.pack_format<interleaved>} : vector<32xbf16> -> vector<16xf32>
        %parallel_loop3A_345 = tpu.unpack_subelements %parallel_loop3A_343, 1 {pack_format = #tpu.pack_format<interleaved>} : vector<32xbf16> -> vector<16xf32>
        %parallel_loop3A_346 = arith.constant 1216 : i32
        %parallel_loop3A_347 = arith.muli %parallel_loop3A_132, %parallel_loop3A_346 : i32
        %parallel_loop3A_348 = arith.addi %add3A_64, %parallel_loop3A_347 : i32
        %parallel_loop3A_349 = arith.constant 64 : i32
        %parallel_loop3A_350 = arith.addi %parallel_loop3A_348, %parallel_loop3A_349 : i32
        %parallel_loop3A_351 = arith.index_cast %parallel_loop3A_350 : i32 to index
        %parallel_loop3A_352 = tpu.vector_load %arg9[%parallel_loop3A_351] {strides = array<i32>} : memref<17024xf32, #tpu.memory_space<vmem>>, vector<16xf32>,
        tpu.vector_store %arg9[%parallel_loop3A_351], %parallel_loop3A_344 {add = true, strides = array<i32>} : memref<17024xf32, #tpu.memory_space<vmem>>, vector<16xf32>,
        %parallel_loop3A_353 = arith.constant 16 : i32
        %parallel_loop3A_354 = arith.addi %parallel_loop3A_350, %parallel_loop3A_353 : i32
        %parallel_loop3A_355 = arith.index_cast %parallel_loop3A_354 : i32 to index
        %parallel_loop3A_356 = tpu.vector_load %arg9[%parallel_loop3A_355] {strides = array<i32>} : memref<17024xf32, #tpu.memory_space<vmem>>, vector<16xf32>,
        tpu.vector_store %arg9[%parallel_loop3A_355], %parallel_loop3A_345 {add = true, strides = array<i32>} : memref<17024xf32, #tpu.memory_space<vmem>>, vector<16xf32>,
        %parallel_loop3A_357 = arith.constant 48 : i32
        %parallel_loop3A_358 = arith.addi %parallel_loop3A_134, %parallel_loop3A_357 : i32
        %parallel_loop3A_359 = arith.addi %squeeze3A, %parallel_loop3A_358 : i32
        %parallel_loop3A_360 = arith.index_cast %parallel_loop3A_359 : i32 to index
        %parallel_loop3A_361 = tpu.vector_load %arg6[%parallel_loop3A_360] {strides = array<i32>} : memref<46208xi32, #tpu.memory_space<vmem>>, vector<16xi32>,
        %parallel_loop3A_362 = vector.bitcast %parallel_loop3A_361 : vector<16xi32> to vector<32xbf16>
        %parallel_loop3A_363 = arith.mulf %parallel_loop3A_362, %bitcast3A : vector<32xbf16>
        %parallel_loop3A_364 = arith.addi %squeeze3A_73, %parallel_loop3A_358 : i32
        %parallel_loop3A_365 = arith.index_cast %parallel_loop3A_364 : i32 to index
        %parallel_loop3A_366 = tpu.vector_load %arg6[%parallel_loop3A_365] {strides = array<i32>} : memref<46208xi32, #tpu.memory_space<vmem>>, vector<16xi32>,
        %parallel_loop3A_367 = vector.bitcast %parallel_loop3A_366 : vector<16xi32> to vector<32xbf16>
        %parallel_loop3A_368 = arith.mulf %parallel_loop3A_367, %bitcast3A_96 : vector<32xbf16>
        %parallel_loop3A_369 = arith.addi %squeeze3A_75, %parallel_loop3A_358 : i32
        %parallel_loop3A_370 = arith.index_cast %parallel_loop3A_369 : i32 to index
        %parallel_loop3A_371 = tpu.vector_load %arg6[%parallel_loop3A_370] {strides = array<i32>} : memref<46208xi32, #tpu.memory_space<vmem>>, vector<16xi32>,
        %parallel_loop3A_372 = vector.bitcast %parallel_loop3A_371 : vector<16xi32> to vector<32xbf16>
        %parallel_loop3A_373 = arith.mulf %parallel_loop3A_372, %bitcast3A_100 : vector<32xbf16>
        %parallel_loop3A_374 = arith.addf %parallel_loop3A_363, %parallel_loop3A_373 : vector<32xbf16>
        %parallel_loop3A_375 = arith.addi %squeeze3A_77, %parallel_loop3A_358 : i32
        %parallel_loop3A_376 = arith.index_cast %parallel_loop3A_375 : i32 to index
        %parallel_loop3A_377 = tpu.vector_load %arg6[%parallel_loop3A_376] {strides = array<i32>} : memref<46208xi32, #tpu.memory_space<vmem>>, vector<16xi32>,
        %parallel_loop3A_378 = vector.bitcast %parallel_loop3A_377 : vector<16xi32> to vector<32xbf16>
        %parallel_loop3A_379 = arith.mulf %parallel_loop3A_378, %bitcast3A_104 : vector<32xbf16>
        %parallel_loop3A_380 = arith.addf %parallel_loop3A_368, %parallel_loop3A_379 : vector<32xbf16>
        %parallel_loop3A_381 = arith.addi %squeeze3A_79, %parallel_loop3A_358 : i32
        %parallel_loop3A_382 = arith.index_cast %parallel_loop3A_381 : i32 to index
        %parallel_loop3A_383 = tpu.vector_load %arg6[%parallel_loop3A_382] {strides = array<i32>} : memref<46208xi32, #tpu.memory_space<vmem>>, vector<16xi32>,
        %parallel_loop3A_384 = vector.bitcast %parallel_loop3A_383 : vector<16xi32> to vector<32xbf16>
        %parallel_loop3A_385 = arith.mulf %parallel_loop3A_384, %bitcast3A_108 : vector<32xbf16>
        %parallel_loop3A_386 = arith.addf %parallel_loop3A_374, %parallel_loop3A_385 : vector<32xbf16>
        %parallel_loop3A_387 = arith.addi %squeeze3A_81, %parallel_loop3A_358 : i32
        %parallel_loop3A_388 = arith.index_cast %parallel_loop3A_387 : i32 to index
        %parallel_loop3A_389 = tpu.vector_load %arg6[%parallel_loop3A_388] {strides = array<i32>} : memref<46208xi32, #tpu.memory_space<vmem>>, vector<16xi32>,
        %parallel_loop3A_390 = vector.bitcast %parallel_loop3A_389 : vector<16xi32> to vector<32xbf16>
        %parallel_loop3A_391 = arith.mulf %parallel_loop3A_390, %bitcast3A_112 : vector<32xbf16>
        %parallel_loop3A_392 = arith.addf %parallel_loop3A_380, %parallel_loop3A_391 : vector<32xbf16>
        %parallel_loop3A_393 = arith.addi %squeeze3A_83, %parallel_loop3A_358 : i32
        %parallel_loop3A_394 = arith.index_cast %parallel_loop3A_393 : i32 to index
        %parallel_loop3A_395 = tpu.vector_load %arg6[%parallel_loop3A_394] {strides = array<i32>} : memref<46208xi32, #tpu.memory_space<vmem>>, vector<16xi32>,
        %parallel_loop3A_396 = vector.bitcast %parallel_loop3A_395 : vector<16xi32> to vector<32xbf16>
        %parallel_loop3A_397 = arith.mulf %parallel_loop3A_396, %bitcast3A_116 : vector<32xbf16>
        %parallel_loop3A_398 = arith.addf %parallel_loop3A_386, %parallel_loop3A_397 : vector<32xbf16>
        %parallel_loop3A_399 = arith.addi %squeeze3A_85, %parallel_loop3A_358 : i32
        %parallel_loop3A_400 = arith.index_cast %parallel_loop3A_399 : i32 to index
        %parallel_loop3A_401 = tpu.vector_load %arg6[%parallel_loop3A_400] {strides = array<i32>} : memref<46208xi32, #tpu.memory_space<vmem>>, vector<16xi32>,
        %parallel_loop3A_402 = vector.bitcast %parallel_loop3A_401 : vector<16xi32> to vector<32xbf16>
        %parallel_loop3A_403 = arith.mulf %parallel_loop3A_402, %bitcast3A_120 : vector<32xbf16>
        %parallel_loop3A_404 = arith.addf %parallel_loop3A_392, %parallel_loop3A_403 : vector<32xbf16>
        %parallel_loop3A_405 = arith.addi %squeeze3A_87, %parallel_loop3A_358 : i32
        %parallel_loop3A_406 = arith.index_cast %parallel_loop3A_405 : i32 to index
        %parallel_loop3A_407 = tpu.vector_load %arg6[%parallel_loop3A_406] {strides = array<i32>} : memref<46208xi32, #tpu.memory_space<vmem>>, vector<16xi32>,
        %parallel_loop3A_408 = vector.bitcast %parallel_loop3A_407 : vector<16xi32> to vector<32xbf16>
        %parallel_loop3A_409 = arith.mulf %parallel_loop3A_408, %bitcast3A_124 : vector<32xbf16>
        %parallel_loop3A_410 = arith.addf %parallel_loop3A_398, %parallel_loop3A_409 : vector<32xbf16>
        %parallel_loop3A_411 = arith.addi %squeeze3A_89, %parallel_loop3A_358 : i32
        %parallel_loop3A_412 = arith.index_cast %parallel_loop3A_411 : i32 to index
        %parallel_loop3A_413 = tpu.vector_load %arg6[%parallel_loop3A_412] {strides = array<i32>} : memref<46208xi32, #tpu.memory_space<vmem>>, vector<16xi32>,
        %parallel_loop3A_414 = vector.bitcast %parallel_loop3A_413 : vector<16xi32> to vector<32xbf16>
        %parallel_loop3A_415 = arith.mulf %parallel_loop3A_414, %bitcast3A_128 : vector<32xbf16>
        %parallel_loop3A_416 = arith.addf %parallel_loop3A_404, %parallel_loop3A_415 : vector<32xbf16>
        %parallel_loop3A_417 = arith.addf %parallel_loop3A_410, %parallel_loop3A_416 : vector<32xbf16>
        %parallel_loop3A_418 = tpu.unpack_subelements %parallel_loop3A_417, 0 {pack_format = #tpu.pack_format<interleaved>} : vector<32xbf16> -> vector<16xf32>
        %parallel_loop3A_419 = tpu.unpack_subelements %parallel_loop3A_417, 1 {pack_format = #tpu.pack_format<interleaved>} : vector<32xbf16> -> vector<16xf32>
        %parallel_loop3A_420 = arith.constant 1216 : i32
        %parallel_loop3A_421 = arith.muli %parallel_loop3A_132, %parallel_loop3A_420 : i32
        %parallel_loop3A_422 = arith.addi %add3A_64, %parallel_loop3A_421 : i32
        %parallel_loop3A_423 = arith.constant 96 : i32
        %parallel_loop3A_424 = arith.addi %parallel_loop3A_422, %parallel_loop3A_423 : i32
        %parallel_loop3A_425 = arith.index_cast %parallel_loop3A_424 : i32 to index
        %parallel_loop3A_426 = tpu.vector_load %arg9[%parallel_loop3A_425] {strides = array<i32>} : memref<17024xf32, #tpu.memory_space<vmem>>, vector<16xf32>,
        tpu.vector_store %arg9[%parallel_loop3A_425], %parallel_loop3A_418 {add = true, strides = array<i32>} : memref<17024xf32, #tpu.memory_space<vmem>>, vector<16xf32>,
        %parallel_loop3A_427 = arith.constant 16 : i32
        %parallel_loop3A_428 = arith.addi %parallel_loop3A_424, %parallel_loop3A_427 : i32
        %parallel_loop3A_429 = arith.index_cast %parallel_loop3A_428 : i32 to index
        %parallel_loop3A_430 = tpu.vector_load %arg9[%parallel_loop3A_429] {strides = array<i32>} : memref<17024xf32, #tpu.memory_space<vmem>>, vector<16xf32>,
        tpu.vector_store %arg9[%parallel_loop3A_429], %parallel_loop3A_419 {add = true, strides = array<i32>} : memref<17024xf32, #tpu.memory_space<vmem>>, vector<16xf32>,
        %parallel_loop3A_431 = arith.constant 64 : i32
        %parallel_loop3A_432 = arith.addi %parallel_loop3A_134, %parallel_loop3A_431 : i32
        %parallel_loop3A_433 = arith.addi %squeeze3A, %parallel_loop3A_432 : i32
        %parallel_loop3A_434 = arith.index_cast %parallel_loop3A_433 : i32 to index
        %parallel_loop3A_435 = tpu.vector_load %arg6[%parallel_loop3A_434] {strides = array<i32>} : memref<46208xi32, #tpu.memory_space<vmem>>, vector<16xi32>,
        %parallel_loop3A_436 = vector.bitcast %parallel_loop3A_435 : vector<16xi32> to vector<32xbf16>
        %parallel_loop3A_437 = arith.mulf %parallel_loop3A_436, %bitcast3A : vector<32xbf16>
        %parallel_loop3A_438 = arith.addi %squeeze3A_73, %parallel_loop3A_432 : i32
        %parallel_loop3A_439 = arith.index_cast %parallel_loop3A_438 : i32 to index
        %parallel_loop3A_440 = tpu.vector_load %arg6[%parallel_loop3A_439] {strides = array<i32>} : memref<46208xi32, #tpu.memory_space<vmem>>, vector<16xi32>,
        %parallel_loop3A_441 = vector.bitcast %parallel_loop3A_440 : vector<16xi32> to vector<32xbf16>
        %parallel_loop3A_442 = arith.mulf %parallel_loop3A_441, %bitcast3A_96 : vector<32xbf16>
        %parallel_loop3A_443 = arith.addi %squeeze3A_75, %parallel_loop3A_432 : i32
        %parallel_loop3A_444 = arith.index_cast %parallel_loop3A_443 : i32 to index
        %parallel_loop3A_445 = tpu.vector_load %arg6[%parallel_loop3A_444] {strides = array<i32>} : memref<46208xi32, #tpu.memory_space<vmem>>, vector<16xi32>,
        %parallel_loop3A_446 = vector.bitcast %parallel_loop3A_445 : vector<16xi32> to vector<32xbf16>
        %parallel_loop3A_447 = arith.mulf %parallel_loop3A_446, %bitcast3A_100 : vector<32xbf16>
        %parallel_loop3A_448 = arith.addf %parallel_loop3A_437, %parallel_loop3A_447 : vector<32xbf16>
        %parallel_loop3A_449 = arith.addi %squeeze3A_77, %parallel_loop3A_432 : i32
        %parallel_loop3A_450 = arith.index_cast %parallel_loop3A_449 : i32 to index
        %parallel_loop3A_451 = tpu.vector_load %arg6[%parallel_loop3A_450] {strides = array<i32>} : memref<46208xi32, #tpu.memory_space<vmem>>, vector<16xi32>,
        %parallel_loop3A_452 = vector.bitcast %parallel_loop3A_451 : vector<16xi32> to vector<32xbf16>
        %parallel_loop3A_453 = arith.mulf %parallel_loop3A_452, %bitcast3A_104 : vector<32xbf16>
        %parallel_loop3A_454 = arith.addf %parallel_loop3A_442, %parallel_loop3A_453 : vector<32xbf16>
        %parallel_loop3A_455 = arith.addi %squeeze3A_79, %parallel_loop3A_432 : i32
        %parallel_loop3A_456 = arith.index_cast %parallel_loop3A_455 : i32 to index
        %parallel_loop3A_457 = tpu.vector_load %arg6[%parallel_loop3A_456] {strides = array<i32>} : memref<46208xi32, #tpu.memory_space<vmem>>, vector<16xi32>,
        %parallel_loop3A_458 = vector.bitcast %parallel_loop3A_457 : vector<16xi32> to vector<32xbf16>
        %parallel_loop3A_459 = arith.mulf %parallel_loop3A_458, %bitcast3A_108 : vector<32xbf16>
        %parallel_loop3A_460 = arith.addf %parallel_loop3A_448, %parallel_loop3A_459 : vector<32xbf16>
        %parallel_loop3A_461 = arith.addi %squeeze3A_81, %parallel_loop3A_432 : i32
        %parallel_loop3A_462 = arith.index_cast %parallel_loop3A_461 : i32 to index
        %parallel_loop3A_463 = tpu.vector_load %arg6[%parallel_loop3A_462] {strides = array<i32>} : memref<46208xi32, #tpu.memory_space<vmem>>, vector<16xi32>,
        %parallel_loop3A_464 = vector.bitcast %parallel_loop3A_463 : vector<16xi32> to vector<32xbf16>
        %parallel_loop3A_465 = arith.mulf %parallel_loop3A_464, %bitcast3A_112 : vector<32xbf16>
        %parallel_loop3A_466 = arith.addf %parallel_loop3A_454, %parallel_loop3A_465 : vector<32xbf16>
        %parallel_loop3A_467 = arith.addi %squeeze3A_83, %parallel_loop3A_432 : i32
        %parallel_loop3A_468 = arith.index_cast %parallel_loop3A_467 : i32 to index
        %parallel_loop3A_469 = tpu.vector_load %arg6[%parallel_loop3A_468] {strides = array<i32>} : memref<46208xi32, #tpu.memory_space<vmem>>, vector<16xi32>,
        %parallel_loop3A_470 = vector.bitcast %parallel_loop3A_469 : vector<16xi32> to vector<32xbf16>
        %parallel_loop3A_471 = arith.mulf %parallel_loop3A_470, %bitcast3A_116 : vector<32xbf16>
        %parallel_loop3A_472 = arith.addf %parallel_loop3A_460, %parallel_loop3A_471 : vector<32xbf16>
        %parallel_loop3A_473 = arith.addi %squeeze3A_85, %parallel_loop3A_432 : i32
        %parallel_loop3A_474 = arith.index_cast %parallel_loop3A_473 : i32 to index
        %parallel_loop3A_475 = tpu.vector_load %arg6[%parallel_loop3A_474] {strides = array<i32>} : memref<46208xi32, #tpu.memory_space<vmem>>, vector<16xi32>,
        %parallel_loop3A_476 = vector.bitcast %parallel_loop3A_475 : vector<16xi32> to vector<32xbf16>
        %parallel_loop3A_477 = arith.mulf %parallel_loop3A_476, %bitcast3A_120 : vector<32xbf16>
        %parallel_loop3A_478 = arith.addf %parallel_loop3A_466, %parallel_loop3A_477 : vector<32xbf16>
        %parallel_loop3A_479 = arith.addi %squeeze3A_87, %parallel_loop3A_432 : i32
        %parallel_loop3A_480 = arith.index_cast %parallel_loop3A_479 : i32 to index
        %parallel_loop3A_481 = tpu.vector_load %arg6[%parallel_loop3A_480] {strides = array<i32>} : memref<46208xi32, #tpu.memory_space<vmem>>, vector<16xi32>,
        %parallel_loop3A_482 = vector.bitcast %parallel_loop3A_481 : vector<16xi32> to vector<32xbf16>
        %parallel_loop3A_483 = arith.mulf %parallel_loop3A_482, %bitcast3A_124 : vector<32xbf16>
        %parallel_loop3A_484 = arith.addf %parallel_loop3A_472, %parallel_loop3A_483 : vector<32xbf16>
        %parallel_loop3A_485 = arith.addi %squeeze3A_89, %parallel_loop3A_432 : i32
        %parallel_loop3A_486 = arith.index_cast %parallel_loop3A_485 : i32 to index
        %parallel_loop3A_487 = tpu.vector_load %arg6[%parallel_loop3A_486] {strides = array<i32>} : memref<46208xi32, #tpu.memory_space<vmem>>, vector<16xi32>,
        %parallel_loop3A_488 = vector.bitcast %parallel_loop3A_487 : vector<16xi32> to vector<32xbf16>
        %parallel_loop3A_489 = arith.mulf %parallel_loop3A_488, %bitcast3A_128 : vector<32xbf16>
        %parallel_loop3A_490 = arith.addf %parallel_loop3A_478, %parallel_loop3A_489 : vector<32xbf16>
        %parallel_loop3A_491 = arith.addf %parallel_loop3A_484, %parallel_loop3A_490 : vector<32xbf16>
        %parallel_loop3A_492 = tpu.unpack_subelements %parallel_loop3A_491, 0 {pack_format = #tpu.pack_format<interleaved>} : vector<32xbf16> -> vector<16xf32>
        %parallel_loop3A_493 = tpu.unpack_subelements %parallel_loop3A_491, 1 {pack_format = #tpu.pack_format<interleaved>} : vector<32xbf16> -> vector<16xf32>
        %parallel_loop3A_494 = arith.constant 1216 : i32
        %parallel_loop3A_495 = arith.muli %parallel_loop3A_132, %parallel_loop3A_494 : i32
        %parallel_loop3A_496 = arith.addi %add3A_64, %parallel_loop3A_495 : i32
        %parallel_loop3A_497 = arith.constant 128 : i32
        %parallel_loop3A_498 = arith.addi %parallel_loop3A_496, %parallel_loop3A_497 : i32
        %parallel_loop3A_499 = arith.index_cast %parallel_loop3A_498 : i32 to index
        %parallel_loop3A_500 = tpu.vector_load %arg9[%parallel_loop3A_499] {strides = array<i32>} : memref<17024xf32, #tpu.memory_space<vmem>>, vector<16xf32>,
        tpu.vector_store %arg9[%parallel_loop3A_499], %parallel_loop3A_492 {add = true, strides = array<i32>} : memref<17024xf32, #tpu.memory_space<vmem>>, vector<16xf32>,
        %parallel_loop3A_501 = arith.constant 16 : i32
        %parallel_loop3A_502 = arith.addi %parallel_loop3A_498, %parallel_loop3A_501 : i32
        %parallel_loop3A_503 = arith.index_cast %parallel_loop3A_502 : i32 to index
        %parallel_loop3A_504 = tpu.vector_load %arg9[%parallel_loop3A_503] {strides = array<i32>} : memref<17024xf32, #tpu.memory_space<vmem>>, vector<16xf32>,
        tpu.vector_store %arg9[%parallel_loop3A_503], %parallel_loop3A_493 {add = true, strides = array<i32>} : memref<17024xf32, #tpu.memory_space<vmem>>, vector<16xf32>,
        %parallel_loop3A_505 = arith.constant 80 : i32
        %parallel_loop3A_506 = arith.addi %parallel_loop3A_134, %parallel_loop3A_505 : i32
        %parallel_loop3A_507 = arith.addi %squeeze3A, %parallel_loop3A_506 : i32
        %parallel_loop3A_508 = arith.index_cast %parallel_loop3A_507 : i32 to index
        %parallel_loop3A_509 = tpu.vector_load %arg6[%parallel_loop3A_508] {strides = array<i32>} : memref<46208xi32, #tpu.memory_space<vmem>>, vector<16xi32>,
        %parallel_loop3A_510 = vector.bitcast %parallel_loop3A_509 : vector<16xi32> to vector<32xbf16>
        %parallel_loop3A_511 = arith.mulf %parallel_loop3A_510, %bitcast3A : vector<32xbf16>
        %parallel_loop3A_512 = arith.addi %squeeze3A_73, %parallel_loop3A_506 : i32
        %parallel_loop3A_513 = arith.index_cast %parallel_loop3A_512 : i32 to index
        %parallel_loop3A_514 = tpu.vector_load %arg6[%parallel_loop3A_513] {strides = array<i32>} : memref<46208xi32, #tpu.memory_space<vmem>>, vector<16xi32>,
        %parallel_loop3A_515 = vector.bitcast %parallel_loop3A_514 : vector<16xi32> to vector<32xbf16>
        %parallel_loop3A_516 = arith.mulf %parallel_loop3A_515, %bitcast3A_96 : vector<32xbf16>
        %parallel_loop3A_517 = arith.addi %squeeze3A_75, %parallel_loop3A_506 : i32
        %parallel_loop3A_518 = arith.index_cast %parallel_loop3A_517 : i32 to index
        %parallel_loop3A_519 = tpu.vector_load %arg6[%parallel_loop3A_518] {strides = array<i32>} : memref<46208xi32, #tpu.memory_space<vmem>>, vector<16xi32>,
        %parallel_loop3A_520 = vector.bitcast %parallel_loop3A_519 : vector<16xi32> to vector<32xbf16>
        %parallel_loop3A_521 = arith.mulf %parallel_loop3A_520, %bitcast3A_100 : vector<32xbf16>
        %parallel_loop3A_522 = arith.addf %parallel_loop3A_511, %parallel_loop3A_521 : vector<32xbf16>
        %parallel_loop3A_523 = arith.addi %squeeze3A_77, %parallel_loop3A_506 : i32
        %parallel_loop3A_524 = arith.index_cast %parallel_loop3A_523 : i32 to index
        %parallel_loop3A_525 = tpu.vector_load %arg6[%parallel_loop3A_524] {strides = array<i32>} : memref<46208xi32, #tpu.memory_space<vmem>>, vector<16xi32>,
        %parallel_loop3A_526 = vector.bitcast %parallel_loop3A_525 : vector<16xi32> to vector<32xbf16>
        %parallel_loop3A_527 = arith.mulf %parallel_loop3A_526, %bitcast3A_104 : vector<32xbf16>
        %parallel_loop3A_528 = arith.addf %parallel_loop3A_516, %parallel_loop3A_527 : vector<32xbf16>
        %parallel_loop3A_529 = arith.addi %squeeze3A_79, %parallel_loop3A_506 : i32
        %parallel_loop3A_530 = arith.index_cast %parallel_loop3A_529 : i32 to index
        %parallel_loop3A_531 = tpu.vector_load %arg6[%parallel_loop3A_530] {strides = array<i32>} : memref<46208xi32, #tpu.memory_space<vmem>>, vector<16xi32>,
        %parallel_loop3A_532 = vector.bitcast %parallel_loop3A_531 : vector<16xi32> to vector<32xbf16>
        %parallel_loop3A_533 = arith.mulf %parallel_loop3A_532, %bitcast3A_108 : vector<32xbf16>
        %parallel_loop3A_534 = arith.addf %parallel_loop3A_522, %parallel_loop3A_533 : vector<32xbf16>
        %parallel_loop3A_535 = arith.addi %squeeze3A_81, %parallel_loop3A_506 : i32
        %parallel_loop3A_536 = arith.index_cast %parallel_loop3A_535 : i32 to index
        %parallel_loop3A_537 = tpu.vector_load %arg6[%parallel_loop3A_536] {strides = array<i32>} : memref<46208xi32, #tpu.memory_space<vmem>>, vector<16xi32>,
        %parallel_loop3A_538 = vector.bitcast %parallel_loop3A_537 : vector<16xi32> to vector<32xbf16>
        %parallel_loop3A_539 = arith.mulf %parallel_loop3A_538, %bitcast3A_112 : vector<32xbf16>
        %parallel_loop3A_540 = arith.addf %parallel_loop3A_528, %parallel_loop3A_539 : vector<32xbf16>
        %parallel_loop3A_541 = arith.addi %squeeze3A_83, %parallel_loop3A_506 : i32
        %parallel_loop3A_542 = arith.index_cast %parallel_loop3A_541 : i32 to index
        %parallel_loop3A_543 = tpu.vector_load %arg6[%parallel_loop3A_542] {strides = array<i32>} : memref<46208xi32, #tpu.memory_space<vmem>>, vector<16xi32>,
        %parallel_loop3A_544 = vector.bitcast %parallel_loop3A_543 : vector<16xi32> to vector<32xbf16>
        %parallel_loop3A_545 = arith.mulf %parallel_loop3A_544, %bitcast3A_116 : vector<32xbf16>
        %parallel_loop3A_546 = arith.addf %parallel_loop3A_534, %parallel_loop3A_545 : vector<32xbf16>
        %parallel_loop3A_547 = arith.addi %squeeze3A_85, %parallel_loop3A_506 : i32
        %parallel_loop3A_548 = arith.index_cast %parallel_loop3A_547 : i32 to index
        %parallel_loop3A_549 = tpu.vector_load %arg6[%parallel_loop3A_548] {strides = array<i32>} : memref<46208xi32, #tpu.memory_space<vmem>>, vector<16xi32>,
        %parallel_loop3A_550 = vector.bitcast %parallel_loop3A_549 : vector<16xi32> to vector<32xbf16>
        %parallel_loop3A_551 = arith.mulf %parallel_loop3A_550, %bitcast3A_120 : vector<32xbf16>
        %parallel_loop3A_552 = arith.addf %parallel_loop3A_540, %parallel_loop3A_551 : vector<32xbf16>
        %parallel_loop3A_553 = arith.addi %squeeze3A_87, %parallel_loop3A_506 : i32
        %parallel_loop3A_554 = arith.index_cast %parallel_loop3A_553 : i32 to index
        %parallel_loop3A_555 = tpu.vector_load %arg6[%parallel_loop3A_554] {strides = array<i32>} : memref<46208xi32, #tpu.memory_space<vmem>>, vector<16xi32>,
        %parallel_loop3A_556 = vector.bitcast %parallel_loop3A_555 : vector<16xi32> to vector<32xbf16>
        %parallel_loop3A_557 = arith.mulf %parallel_loop3A_556, %bitcast3A_124 : vector<32xbf16>
        %parallel_loop3A_558 = arith.addf %parallel_loop3A_546, %parallel_loop3A_557 : vector<32xbf16>
        %parallel_loop3A_559 = arith.addi %squeeze3A_89, %parallel_loop3A_506 : i32
        %parallel_loop3A_560 = arith.index_cast %parallel_loop3A_559 : i32 to index
        %parallel_loop3A_561 = tpu.vector_load %arg6[%parallel_loop3A_560] {strides = array<i32>} : memref<46208xi32, #tpu.memory_space<vmem>>, vector<16xi32>,
        %parallel_loop3A_562 = vector.bitcast %parallel_loop3A_561 : vector<16xi32> to vector<32xbf16>
        %parallel_loop3A_563 = arith.mulf %parallel_loop3A_562, %bitcast3A_128 : vector<32xbf16>
        %parallel_loop3A_564 = arith.addf %parallel_loop3A_552, %parallel_loop3A_563 : vector<32xbf16>
        %parallel_loop3A_565 = arith.addf %parallel_loop3A_558, %parallel_loop3A_564 : vector<32xbf16>
        %parallel_loop3A_566 = tpu.unpack_subelements %parallel_loop3A_565, 0 {pack_format = #tpu.pack_format<interleaved>} : vector<32xbf16> -> vector<16xf32>
        %parallel_loop3A_567 = tpu.unpack_subelements %parallel_loop3A_565, 1 {pack_format = #tpu.pack_format<interleaved>} : vector<32xbf16> -> vector<16xf32>
        %parallel_loop3A_568 = arith.constant 1216 : i32
        %parallel_loop3A_569 = arith.muli %parallel_loop3A_132, %parallel_loop3A_568 : i32
        %parallel_loop3A_570 = arith.addi %add3A_64, %parallel_loop3A_569 : i32
        %parallel_loop3A_571 = arith.constant 160 : i32
        %parallel_loop3A_572 = arith.addi %parallel_loop3A_570, %parallel_loop3A_571 : i32
        %parallel_loop3A_573 = arith.index_cast %parallel_loop3A_572 : i32 to index
        %parallel_loop3A_574 = tpu.vector_load %arg9[%parallel_loop3A_573] {strides = array<i32>} : memref<17024xf32, #tpu.memory_space<vmem>>, vector<16xf32>,
        tpu.vector_store %arg9[%parallel_loop3A_573], %parallel_loop3A_566 {add = true, strides = array<i32>} : memref<17024xf32, #tpu.memory_space<vmem>>, vector<16xf32>,
        %parallel_loop3A_575 = arith.constant 16 : i32
        %parallel_loop3A_576 = arith.addi %parallel_loop3A_572, %parallel_loop3A_575 : i32
        %parallel_loop3A_577 = arith.index_cast %parallel_loop3A_576 : i32 to index
        %parallel_loop3A_578 = tpu.vector_load %arg9[%parallel_loop3A_577] {strides = array<i32>} : memref<17024xf32, #tpu.memory_space<vmem>>, vector<16xf32>,
        tpu.vector_store %arg9[%parallel_loop3A_577], %parallel_loop3A_567 {add = true, strides = array<i32>} : memref<17024xf32, #tpu.memory_space<vmem>>, vector<16xf32>,
        %parallel_loop3A_579 = arith.constant 96 : i32
        %parallel_loop3A_580 = arith.addi %parallel_loop3A_134, %parallel_loop3A_579 : i32
        %parallel_loop3A_581 = arith.addi %squeeze3A, %parallel_loop3A_580 : i32
        %parallel_loop3A_582 = arith.index_cast %parallel_loop3A_581 : i32 to index
        %parallel_loop3A_583 = tpu.vector_load %arg6[%parallel_loop3A_582] {strides = array<i32>} : memref<46208xi32, #tpu.memory_space<vmem>>, vector<16xi32>,
        %parallel_loop3A_584 = vector.bitcast %parallel_loop3A_583 : vector<16xi32> to vector<32xbf16>
        %parallel_loop3A_585 = arith.mulf %parallel_loop3A_584, %bitcast3A : vector<32xbf16>
        %parallel_loop3A_586 = arith.addi %squeeze3A_73, %parallel_loop3A_580 : i32
        %parallel_loop3A_587 = arith.index_cast %parallel_loop3A_586 : i32 to index
        %parallel_loop3A_588 = tpu.vector_load %arg6[%parallel_loop3A_587] {strides = array<i32>} : memref<46208xi32, #tpu.memory_space<vmem>>, vector<16xi32>,
        %parallel_loop3A_589 = vector.bitcast %parallel_loop3A_588 : vector<16xi32> to vector<32xbf16>
        %parallel_loop3A_590 = arith.mulf %parallel_loop3A_589, %bitcast3A_96 : vector<32xbf16>
        %parallel_loop3A_591 = arith.addi %squeeze3A_75, %parallel_loop3A_580 : i32
        %parallel_loop3A_592 = arith.index_cast %parallel_loop3A_591 : i32 to index
        %parallel_loop3A_593 = tpu.vector_load %arg6[%parallel_loop3A_592] {strides = array<i32>} : memref<46208xi32, #tpu.memory_space<vmem>>, vector<16xi32>,
        %parallel_loop3A_594 = vector.bitcast %parallel_loop3A_593 : vector<16xi32> to vector<32xbf16>
        %parallel_loop3A_595 = arith.mulf %parallel_loop3A_594, %bitcast3A_100 : vector<32xbf16>
        %parallel_loop3A_596 = arith.addf %parallel_loop3A_585, %parallel_loop3A_595 : vector<32xbf16>
        %parallel_loop3A_597 = arith.addi %squeeze3A_77, %parallel_loop3A_580 : i32
        %parallel_loop3A_598 = arith.index_cast %parallel_loop3A_597 : i32 to index
        %parallel_loop3A_599 = tpu.vector_load %arg6[%parallel_loop3A_598] {strides = array<i32>} : memref<46208xi32, #tpu.memory_space<vmem>>, vector<16xi32>,
        %parallel_loop3A_600 = vector.bitcast %parallel_loop3A_599 : vector<16xi32> to vector<32xbf16>
        %parallel_loop3A_601 = arith.mulf %parallel_loop3A_600, %bitcast3A_104 : vector<32xbf16>
        %parallel_loop3A_602 = arith.addf %parallel_loop3A_590, %parallel_loop3A_601 : vector<32xbf16>
        %parallel_loop3A_603 = arith.addi %squeeze3A_79, %parallel_loop3A_580 : i32
        %parallel_loop3A_604 = arith.index_cast %parallel_loop3A_603 : i32 to index
        %parallel_loop3A_605 = tpu.vector_load %arg6[%parallel_loop3A_604] {strides = array<i32>} : memref<46208xi32, #tpu.memory_space<vmem>>, vector<16xi32>,
        %parallel_loop3A_606 = vector.bitcast %parallel_loop3A_605 : vector<16xi32> to vector<32xbf16>
        %parallel_loop3A_607 = arith.mulf %parallel_loop3A_606, %bitcast3A_108 : vector<32xbf16>
        %parallel_loop3A_608 = arith.addf %parallel_loop3A_596, %parallel_loop3A_607 : vector<32xbf16>
        %parallel_loop3A_609 = arith.addi %squeeze3A_81, %parallel_loop3A_580 : i32
        %parallel_loop3A_610 = arith.index_cast %parallel_loop3A_609 : i32 to index
        %parallel_loop3A_611 = tpu.vector_load %arg6[%parallel_loop3A_610] {strides = array<i32>} : memref<46208xi32, #tpu.memory_space<vmem>>, vector<16xi32>,
        %parallel_loop3A_612 = vector.bitcast %parallel_loop3A_611 : vector<16xi32> to vector<32xbf16>
        %parallel_loop3A_613 = arith.mulf %parallel_loop3A_612, %bitcast3A_112 : vector<32xbf16>
        %parallel_loop3A_614 = arith.addf %parallel_loop3A_602, %parallel_loop3A_613 : vector<32xbf16>
        %parallel_loop3A_615 = arith.addi %squeeze3A_83, %parallel_loop3A_580 : i32
        %parallel_loop3A_616 = arith.index_cast %parallel_loop3A_615 : i32 to index
        %parallel_loop3A_617 = tpu.vector_load %arg6[%parallel_loop3A_616] {strides = array<i32>} : memref<46208xi32, #tpu.memory_space<vmem>>, vector<16xi32>,
        %parallel_loop3A_618 = vector.bitcast %parallel_loop3A_617 : vector<16xi32> to vector<32xbf16>
        %parallel_loop3A_619 = arith.mulf %parallel_loop3A_618, %bitcast3A_116 : vector<32xbf16>
        %parallel_loop3A_620 = arith.addf %parallel_loop3A_608, %parallel_loop3A_619 : vector<32xbf16>
        %parallel_loop3A_621 = arith.addi %squeeze3A_85, %parallel_loop3A_580 : i32
        %parallel_loop3A_622 = arith.index_cast %parallel_loop3A_621 : i32 to index
        %parallel_loop3A_623 = tpu.vector_load %arg6[%parallel_loop3A_622] {strides = array<i32>} : memref<46208xi32, #tpu.memory_space<vmem>>, vector<16xi32>,
        %parallel_loop3A_624 = vector.bitcast %parallel_loop3A_623 : vector<16xi32> to vector<32xbf16>
        %parallel_loop3A_625 = arith.mulf %parallel_loop3A_624, %bitcast3A_120 : vector<32xbf16>
        %parallel_loop3A_626 = arith.addf %parallel_loop3A_614, %parallel_loop3A_625 : vector<32xbf16>
        %parallel_loop3A_627 = arith.addi %squeeze3A_87, %parallel_loop3A_580 : i32
        %parallel_loop3A_628 = arith.index_cast %parallel_loop3A_627 : i32 to index
        %parallel_loop3A_629 = tpu.vector_load %arg6[%parallel_loop3A_628] {strides = array<i32>} : memref<46208xi32, #tpu.memory_space<vmem>>, vector<16xi32>,
        %parallel_loop3A_630 = vector.bitcast %parallel_loop3A_629 : vector<16xi32> to vector<32xbf16>
        %parallel_loop3A_631 = arith.mulf %parallel_loop3A_630, %bitcast3A_124 : vector<32xbf16>
        %parallel_loop3A_632 = arith.addf %parallel_loop3A_620, %parallel_loop3A_631 : vector<32xbf16>
        %parallel_loop3A_633 = arith.addi %squeeze3A_89, %parallel_loop3A_580 : i32
        %parallel_loop3A_634 = arith.index_cast %parallel_loop3A_633 : i32 to index
        %parallel_loop3A_635 = tpu.vector_load %arg6[%parallel_loop3A_634] {strides = array<i32>} : memref<46208xi32, #tpu.memory_space<vmem>>, vector<16xi32>,
        %parallel_loop3A_636 = vector.bitcast %parallel_loop3A_635 : vector<16xi32> to vector<32xbf16>
        %parallel_loop3A_637 = arith.mulf %parallel_loop3A_636, %bitcast3A_128 : vector<32xbf16>
        %parallel_loop3A_638 = arith.addf %parallel_loop3A_626, %parallel_loop3A_637 : vector<32xbf16>
        %parallel_loop3A_639 = arith.addf %parallel_loop3A_632, %parallel_loop3A_638 : vector<32xbf16>
        %parallel_loop3A_640 = tpu.unpack_subelements %parallel_loop3A_639, 0 {pack_format = #tpu.pack_format<interleaved>} : vector<32xbf16> -> vector<16xf32>
        %parallel_loop3A_641 = tpu.unpack_subelements %parallel_loop3A_639, 1 {pack_format = #tpu.pack_format<interleaved>} : vector<32xbf16> -> vector<16xf32>
        %parallel_loop3A_642 = arith.constant 1216 : i32
        %parallel_loop3A_643 = arith.muli %parallel_loop3A_132, %parallel_loop3A_642 : i32
        %parallel_loop3A_644 = arith.addi %add3A_64, %parallel_loop3A_643 : i32
        %parallel_loop3A_645 = arith.constant 192 : i32
        %parallel_loop3A_646 = arith.addi %parallel_loop3A_644, %parallel_loop3A_645 : i32
        %parallel_loop3A_647 = arith.index_cast %parallel_loop3A_646 : i32 to index
        %parallel_loop3A_648 = tpu.vector_load %arg9[%parallel_loop3A_647] {strides = array<i32>} : memref<17024xf32, #tpu.memory_space<vmem>>, vector<16xf32>,
        tpu.vector_store %arg9[%parallel_loop3A_647], %parallel_loop3A_640 {add = true, strides = array<i32>} : memref<17024xf32, #tpu.memory_space<vmem>>, vector<16xf32>,
        %parallel_loop3A_649 = arith.constant 16 : i32
        %parallel_loop3A_650 = arith.addi %parallel_loop3A_646, %parallel_loop3A_649 : i32
        %parallel_loop3A_651 = arith.index_cast %parallel_loop3A_650 : i32 to index
        %parallel_loop3A_652 = tpu.vector_load %arg9[%parallel_loop3A_651] {strides = array<i32>} : memref<17024xf32, #tpu.memory_space<vmem>>, vector<16xf32>,
        tpu.vector_store %arg9[%parallel_loop3A_651], %parallel_loop3A_641 {add = true, strides = array<i32>} : memref<17024xf32, #tpu.memory_space<vmem>>, vector<16xf32>,
      } {sc.loop_unroll_factor = 1 : i64, sc.parallel_access}
      %scan3A_131 = arith.constant 0 : i32
      scf.yield %scan3A_131 : i32
    }
    %scan3A_30 = arith.constant 256 : i32
    "tpu.region"() ({
      %run_scoped3A = tpu.sem_alloc : memref<!tpu.dma_semaphore, #tpu.memory_space<semaphore_mem>>
      %dma_start3A = arith.constant 0 : i32
      %dma_start3A_31 = tpu.memref_slice %arg5[%add3A, %dma_start3A] : memref<32x17024xf32, #tpu.memory_space<hbm>> -> memref<1x17024xf32, #tpu.memory_space<hbm>>
      %dma_start3A_32 = tpu.memref_squeeze %dma_start3A_31 : memref<1x17024xf32, #tpu.memory_space<hbm>> -> memref<17024xf32, #tpu.memory_space<hbm>>
      %dma_start3A_33 = arith.constant 0 : i32
      %dma_start3A_34 = tpu.memref_slice %arg5[%add3A, %dma_start3A_33] : memref<32x17024xf32, #tpu.memory_space<hbm>> -> memref<1x17024xf32, #tpu.memory_space<hbm>>
      %dma_start3A_35 = tpu.memref_squeeze %dma_start3A_34 : memref<1x17024xf32, #tpu.memory_space<hbm>> -> memref<17024xf32, #tpu.memory_space<hbm>>
      tpu.enqueue_dma source(%arg9 : memref<17024xf32, #tpu.memory_space<vmem>>) target(%dma_start3A_35 : memref<17024xf32, #tpu.memory_space<hbm>>) target_semaphore(%run_scoped3A : memref<!tpu.dma_semaphore, #tpu.memory_space<semaphore_mem>>)
      %dma_wait3A = arith.constant 0 : i32
      %dma_wait3A_36 = tpu.memref_slice %arg5[%add3A, %dma_wait3A] : memref<32x17024xf32, #tpu.memory_space<hbm>> -> memref<1x17024xf32, #tpu.memory_space<hbm>>
      %dma_wait3A_37 = tpu.memref_squeeze %dma_wait3A_36 : memref<1x17024xf32, #tpu.memory_space<hbm>> -> memref<17024xf32, #tpu.memory_space<hbm>>
      %dma_wait3A_38 = arith.constant 0 : i32
      %dma_wait3A_39 = tpu.memref_slice %arg5[%add3A, %dma_wait3A_38] : memref<32x17024xf32, #tpu.memory_space<hbm>> -> memref<1x17024xf32, #tpu.memory_space<hbm>>
      %dma_wait3A_40 = tpu.memref_squeeze %dma_wait3A_39 : memref<1x17024xf32, #tpu.memory_space<hbm>> -> memref<17024xf32, #tpu.memory_space<hbm>>
      tpu.wait_dma2 semaphore(%run_scoped3A : memref<!tpu.dma_semaphore, #tpu.memory_space<semaphore_mem>>) src(%arg9 : memref<17024xf32, #tpu.memory_space<vmem>>) dst(%dma_wait3A_40 : memref<17024xf32, #tpu.memory_space<hbm>>)
      tpu.yield
    }) : () -> ()
    return
  }
}

module attributes {stable_mosaic.version = 14 : i64} {
  func.func @_tc_body(%arg0: memref<8x4x14x1216xf32, #tpu.memory_space<vmem>>, %arg1: memref<32x1024xf32, #tpu.memory_space<vmem>>, %arg2: memref<8x32x1024xf32, #tpu.memory_space<vmem>>) attributes {dimension_semantics = [], scalar_prefetch = 0 : i64, scratch_operands = 0 : i64, tpu.core_type = #tpu.core_type<tc>} {
    %get3A = arith.constant 0 : index
    %get3A_0 = arith.constant 0 : index
    %get3A_1 = arith.constant 0 : index
    %get3A_2 = arith.constant 0 : index
    %get3A_3 = vector.load %arg0[%get3A, %get3A_0, %get3A_1, %get3A_2] : memref<8x4x14x1216xf32, #tpu.memory_space<vmem>>, vector<8x4x14x1216xf32>
    %slice3A = vector.extract_strided_slice %get3A_3 {offsets = [0, 0, 0, 0], sizes = [8, 1, 14, 1216], strides = [1, 1, 1, 1]} : vector<8x4x14x1216xf32> to vector<8x1x14x1216xf32>
    %squeeze3A = vector.shape_cast %slice3A : vector<8x1x14x1216xf32> to vector<8x14x1216xf32>
    %broadcast_in_dim3A = arith.constant 0.000000e+00 : f32
    %broadcast_in_dim3A_4 = vector.broadcast %broadcast_in_dim3A : f32 to vector<8x1x1216xf32>
    %concatenate3A = tpu.concatenate %squeeze3A, %broadcast_in_dim3A_4, %broadcast_in_dim3A_4, %broadcast_in_dim3A_4, %broadcast_in_dim3A_4, %broadcast_in_dim3A_4, %broadcast_in_dim3A_4, %broadcast_in_dim3A_4, %broadcast_in_dim3A_4, %broadcast_in_dim3A_4, %broadcast_in_dim3A_4, %broadcast_in_dim3A_4, %broadcast_in_dim3A_4, %broadcast_in_dim3A_4, %broadcast_in_dim3A_4, %broadcast_in_dim3A_4, %broadcast_in_dim3A_4, %broadcast_in_dim3A_4, %broadcast_in_dim3A_4, %broadcast_in_dim3A_4, %broadcast_in_dim3A_4, %broadcast_in_dim3A_4, %broadcast_in_dim3A_4, %broadcast_in_dim3A_4, %broadcast_in_dim3A_4 in 1 : vector<8x14x1216xf32>, vector<8x1x1216xf32>, vector<8x1x1216xf32>, vector<8x1x1216xf32>, vector<8x1x1216xf32>, vector<8x1x1216xf32>, vector<8x1x1216xf32>, vector<8x1x1216xf32>, vector<8x1x1216xf32>, vector<8x1x1216xf32>, vector<8x1x1216xf32>, vector<8x1x1216xf32>, vector<8x1x1216xf32>, vector<8x1x1216xf32>, vector<8x1x1216xf32>, vector<8x1x1216xf32>, vector<8x1x1216xf32>, vector<8x1x1216xf32>, vector<8x1x1216xf32>, vector<8x1x1216xf32>, vector<8x1x1216xf32>, vector<8x1x1216xf32>, vector<8x1x1216xf32>, vector<8x1x1216xf32>, vector<8x1x1216xf32> -> vector<8x38x1216xf32>
    %add3A = arith.constant 0.000000e+00 : f32
    %add3A_5 = vector.broadcast %add3A : f32 to vector<8x38x1216xf32>
    %add3A_6 = arith.addf %add3A_5, %concatenate3A : vector<8x38x1216xf32>
    %slice3A_7 = vector.extract_strided_slice %get3A_3 {offsets = [0, 1, 0, 0], sizes = [8, 1, 14, 1216], strides = [1, 1, 1, 1]} : vector<8x4x14x1216xf32> to vector<8x1x14x1216xf32>
    %squeeze3A_8 = vector.shape_cast %slice3A_7 : vector<8x1x14x1216xf32> to vector<8x14x1216xf32>
    %broadcast_in_dim3A_9 = arith.constant 0.000000e+00 : f32
    %broadcast_in_dim3A_10 = vector.broadcast %broadcast_in_dim3A_9 : f32 to vector<8x1x1216xf32>
    %concatenate3A_11 = tpu.concatenate %broadcast_in_dim3A_10, %broadcast_in_dim3A_10, %broadcast_in_dim3A_10, %broadcast_in_dim3A_10, %broadcast_in_dim3A_10, %broadcast_in_dim3A_10, %broadcast_in_dim3A_10, %broadcast_in_dim3A_10, %squeeze3A_8, %broadcast_in_dim3A_10, %broadcast_in_dim3A_10, %broadcast_in_dim3A_10, %broadcast_in_dim3A_10, %broadcast_in_dim3A_10, %broadcast_in_dim3A_10, %broadcast_in_dim3A_10, %broadcast_in_dim3A_10, %broadcast_in_dim3A_10, %broadcast_in_dim3A_10, %broadcast_in_dim3A_10, %broadcast_in_dim3A_10, %broadcast_in_dim3A_10, %broadcast_in_dim3A_10, %broadcast_in_dim3A_10, %broadcast_in_dim3A_10 in 1 : vector<8x1x1216xf32>, vector<8x1x1216xf32>, vector<8x1x1216xf32>, vector<8x1x1216xf32>, vector<8x1x1216xf32>, vector<8x1x1216xf32>, vector<8x1x1216xf32>, vector<8x1x1216xf32>, vector<8x14x1216xf32>, vector<8x1x1216xf32>, vector<8x1x1216xf32>, vector<8x1x1216xf32>, vector<8x1x1216xf32>, vector<8x1x1216xf32>, vector<8x1x1216xf32>, vector<8x1x1216xf32>, vector<8x1x1216xf32>, vector<8x1x1216xf32>, vector<8x1x1216xf32>, vector<8x1x1216xf32>, vector<8x1x1216xf32>, vector<8x1x1216xf32>, vector<8x1x1216xf32>, vector<8x1x1216xf32>, vector<8x1x1216xf32> -> vector<8x38x1216xf32>
    %add3A_12 = arith.addf %add3A_6, %concatenate3A_11 : vector<8x38x1216xf32>
    %slice3A_13 = vector.extract_strided_slice %get3A_3 {offsets = [0, 2, 0, 0], sizes = [8, 1, 14, 1216], strides = [1, 1, 1, 1]} : vector<8x4x14x1216xf32> to vector<8x1x14x1216xf32>
    %squeeze3A_14 = vector.shape_cast %slice3A_13 : vector<8x1x14x1216xf32> to vector<8x14x1216xf32>
    %broadcast_in_dim3A_15 = arith.constant 0.000000e+00 : f32
    %broadcast_in_dim3A_16 = vector.broadcast %broadcast_in_dim3A_15 : f32 to vector<8x1x1216xf32>
    %concatenate3A_17 = tpu.concatenate %broadcast_in_dim3A_16, %broadcast_in_dim3A_16, %broadcast_in_dim3A_16, %broadcast_in_dim3A_16, %broadcast_in_dim3A_16, %broadcast_in_dim3A_16, %broadcast_in_dim3A_16, %broadcast_in_dim3A_16, %broadcast_in_dim3A_16, %broadcast_in_dim3A_16, %broadcast_in_dim3A_16, %broadcast_in_dim3A_16, %broadcast_in_dim3A_16, %broadcast_in_dim3A_16, %broadcast_in_dim3A_16, %broadcast_in_dim3A_16, %squeeze3A_14, %broadcast_in_dim3A_16, %broadcast_in_dim3A_16, %broadcast_in_dim3A_16, %broadcast_in_dim3A_16, %broadcast_in_dim3A_16, %broadcast_in_dim3A_16, %broadcast_in_dim3A_16, %broadcast_in_dim3A_16 in 1 : vector<8x1x1216xf32>, vector<8x1x1216xf32>, vector<8x1x1216xf32>, vector<8x1x1216xf32>, vector<8x1x1216xf32>, vector<8x1x1216xf32>, vector<8x1x1216xf32>, vector<8x1x1216xf32>, vector<8x1x1216xf32>, vector<8x1x1216xf32>, vector<8x1x1216xf32>, vector<8x1x1216xf32>, vector<8x1x1216xf32>, vector<8x1x1216xf32>, vector<8x1x1216xf32>, vector<8x1x1216xf32>, vector<8x14x1216xf32>, vector<8x1x1216xf32>, vector<8x1x1216xf32>, vector<8x1x1216xf32>, vector<8x1x1216xf32>, vector<8x1x1216xf32>, vector<8x1x1216xf32>, vector<8x1x1216xf32>, vector<8x1x1216xf32> -> vector<8x38x1216xf32>
    %add3A_18 = arith.addf %add3A_12, %concatenate3A_17 : vector<8x38x1216xf32>
    %slice3A_19 = vector.extract_strided_slice %get3A_3 {offsets = [0, 3, 0, 0], sizes = [8, 1, 14, 1216], strides = [1, 1, 1, 1]} : vector<8x4x14x1216xf32> to vector<8x1x14x1216xf32>
    %squeeze3A_20 = vector.shape_cast %slice3A_19 : vector<8x1x14x1216xf32> to vector<8x14x1216xf32>
    %broadcast_in_dim3A_21 = arith.constant 0.000000e+00 : f32
    %broadcast_in_dim3A_22 = vector.broadcast %broadcast_in_dim3A_21 : f32 to vector<8x1x1216xf32>
    %concatenate3A_23 = tpu.concatenate %broadcast_in_dim3A_22, %broadcast_in_dim3A_22, %broadcast_in_dim3A_22, %broadcast_in_dim3A_22, %broadcast_in_dim3A_22, %broadcast_in_dim3A_22, %broadcast_in_dim3A_22, %broadcast_in_dim3A_22, %broadcast_in_dim3A_22, %broadcast_in_dim3A_22, %broadcast_in_dim3A_22, %broadcast_in_dim3A_22, %broadcast_in_dim3A_22, %broadcast_in_dim3A_22, %broadcast_in_dim3A_22, %broadcast_in_dim3A_22, %broadcast_in_dim3A_22, %broadcast_in_dim3A_22, %broadcast_in_dim3A_22, %broadcast_in_dim3A_22, %broadcast_in_dim3A_22, %broadcast_in_dim3A_22, %broadcast_in_dim3A_22, %broadcast_in_dim3A_22, %squeeze3A_20 in 1 : vector<8x1x1216xf32>, vector<8x1x1216xf32>, vector<8x1x1216xf32>, vector<8x1x1216xf32>, vector<8x1x1216xf32>, vector<8x1x1216xf32>, vector<8x1x1216xf32>, vector<8x1x1216xf32>, vector<8x1x1216xf32>, vector<8x1x1216xf32>, vector<8x1x1216xf32>, vector<8x1x1216xf32>, vector<8x1x1216xf32>, vector<8x1x1216xf32>, vector<8x1x1216xf32>, vector<8x1x1216xf32>, vector<8x1x1216xf32>, vector<8x1x1216xf32>, vector<8x1x1216xf32>, vector<8x1x1216xf32>, vector<8x1x1216xf32>, vector<8x1x1216xf32>, vector<8x1x1216xf32>, vector<8x1x1216xf32>, vector<8x14x1216xf32> -> vector<8x38x1216xf32>
    %add3A_24 = arith.addf %add3A_18, %concatenate3A_23 : vector<8x38x1216xf32>
    %slice3A_25 = vector.extract_strided_slice %add3A_24 {offsets = [0, 37, 0], sizes = [8, 1, 1216], strides = [1, 1, 1]} : vector<8x38x1216xf32> to vector<8x1x1216xf32>
    %slice3A_26 = vector.extract_strided_slice %add3A_24 {offsets = [0, 36, 0], sizes = [8, 1, 1216], strides = [1, 1, 1]} : vector<8x38x1216xf32> to vector<8x1x1216xf32>
    %slice3A_27 = vector.extract_strided_slice %add3A_24 {offsets = [0, 35, 0], sizes = [8, 1, 1216], strides = [1, 1, 1]} : vector<8x38x1216xf32> to vector<8x1x1216xf32>
    %slice3A_28 = vector.extract_strided_slice %add3A_24 {offsets = [0, 34, 0], sizes = [8, 1, 1216], strides = [1, 1, 1]} : vector<8x38x1216xf32> to vector<8x1x1216xf32>
    %slice3A_29 = vector.extract_strided_slice %add3A_24 {offsets = [0, 33, 0], sizes = [8, 1, 1216], strides = [1, 1, 1]} : vector<8x38x1216xf32> to vector<8x1x1216xf32>
    %slice3A_30 = vector.extract_strided_slice %add3A_24 {offsets = [0, 32, 0], sizes = [8, 1, 1216], strides = [1, 1, 1]} : vector<8x38x1216xf32> to vector<8x1x1216xf32>
    %concatenate3A_31 = tpu.concatenate %slice3A_25, %slice3A_26, %slice3A_27, %slice3A_28, %slice3A_29, %slice3A_30 in 1 : vector<8x1x1216xf32>, vector<8x1x1216xf32>, vector<8x1x1216xf32>, vector<8x1x1216xf32>, vector<8x1x1216xf32>, vector<8x1x1216xf32> -> vector<8x6x1216xf32>
    %slice3A_32 = vector.extract_strided_slice %add3A_24 {offsets = [0, 0, 0], sizes = [8, 32, 1216], strides = [1, 1, 1]} : vector<8x38x1216xf32> to vector<8x32x1216xf32>
    %broadcast_in_dim3A_33 = arith.constant 0.000000e+00 : f32
    %broadcast_in_dim3A_34 = vector.broadcast %broadcast_in_dim3A_33 : f32 to vector<8x1x1216xf32>
    %concatenate3A_35 = tpu.concatenate %broadcast_in_dim3A_34, %broadcast_in_dim3A_34, %broadcast_in_dim3A_34, %broadcast_in_dim3A_34, %broadcast_in_dim3A_34, %broadcast_in_dim3A_34, %broadcast_in_dim3A_34, %broadcast_in_dim3A_34, %broadcast_in_dim3A_34, %broadcast_in_dim3A_34, %broadcast_in_dim3A_34, %broadcast_in_dim3A_34, %broadcast_in_dim3A_34, %broadcast_in_dim3A_34, %broadcast_in_dim3A_34, %broadcast_in_dim3A_34, %broadcast_in_dim3A_34, %broadcast_in_dim3A_34, %broadcast_in_dim3A_34, %broadcast_in_dim3A_34, %broadcast_in_dim3A_34, %broadcast_in_dim3A_34, %broadcast_in_dim3A_34, %broadcast_in_dim3A_34, %broadcast_in_dim3A_34, %concatenate3A_31, %broadcast_in_dim3A_34 in 1 : vector<8x1x1216xf32>, vector<8x1x1216xf32>, vector<8x1x1216xf32>, vector<8x1x1216xf32>, vector<8x1x1216xf32>, vector<8x1x1216xf32>, vector<8x1x1216xf32>, vector<8x1x1216xf32>, vector<8x1x1216xf32>, vector<8x1x1216xf32>, vector<8x1x1216xf32>, vector<8x1x1216xf32>, vector<8x1x1216xf32>, vector<8x1x1216xf32>, vector<8x1x1216xf32>, vector<8x1x1216xf32>, vector<8x1x1216xf32>, vector<8x1x1216xf32>, vector<8x1x1216xf32>, vector<8x1x1216xf32>, vector<8x1x1216xf32>, vector<8x1x1216xf32>, vector<8x1x1216xf32>, vector<8x1x1216xf32>, vector<8x1x1216xf32>, vector<8x6x1216xf32>, vector<8x1x1216xf32> -> vector<8x32x1216xf32>
    %add3A_36 = arith.addf %slice3A_32, %concatenate3A_35 : vector<8x32x1216xf32>
    %broadcast_in_dim3A_37 = arith.constant 0.000000e+00 : f32
    %broadcast_in_dim3A_38 = vector.broadcast %broadcast_in_dim3A_37 : f32 to vector<8x32x32xf32>
    %slice3A_39 = vector.extract_strided_slice %add3A_36 {offsets = [0, 0, 1184], sizes = [8, 32, 32], strides = [1, 1, 1]} : vector<8x32x1216xf32> to vector<8x32x32xf32>
    %slice3A_40 = vector.extract_strided_slice %add3A_36 {offsets = [0, 0, 1152], sizes = [8, 32, 32], strides = [1, 1, 1]} : vector<8x32x1216xf32> to vector<8x32x32xf32>
    %slice3A_41 = vector.extract_strided_slice %add3A_36 {offsets = [0, 0, 1120], sizes = [8, 32, 32], strides = [1, 1, 1]} : vector<8x32x1216xf32> to vector<8x32x32xf32>
    %slice3A_42 = vector.extract_strided_slice %add3A_36 {offsets = [0, 0, 1088], sizes = [8, 32, 32], strides = [1, 1, 1]} : vector<8x32x1216xf32> to vector<8x32x32xf32>
    %slice3A_43 = vector.extract_strided_slice %add3A_36 {offsets = [0, 0, 1056], sizes = [8, 32, 32], strides = [1, 1, 1]} : vector<8x32x1216xf32> to vector<8x32x32xf32>
    %slice3A_44 = vector.extract_strided_slice %add3A_36 {offsets = [0, 0, 1024], sizes = [8, 32, 32], strides = [1, 1, 1]} : vector<8x32x1216xf32> to vector<8x32x32xf32>
    %slice3A_45 = vector.extract_strided_slice %add3A_36 {offsets = [0, 0, 0], sizes = [8, 32, 1024], strides = [1, 1, 1]} : vector<8x32x1216xf32> to vector<8x32x1024xf32>
    %concatenate3A_46 = tpu.concatenate %broadcast_in_dim3A_38, %broadcast_in_dim3A_38, %broadcast_in_dim3A_38, %broadcast_in_dim3A_38, %broadcast_in_dim3A_38, %broadcast_in_dim3A_38, %broadcast_in_dim3A_38, %broadcast_in_dim3A_38, %broadcast_in_dim3A_38, %broadcast_in_dim3A_38, %broadcast_in_dim3A_38, %broadcast_in_dim3A_38, %broadcast_in_dim3A_38, %broadcast_in_dim3A_38, %broadcast_in_dim3A_38, %broadcast_in_dim3A_38, %broadcast_in_dim3A_38, %broadcast_in_dim3A_38, %broadcast_in_dim3A_38, %broadcast_in_dim3A_38, %broadcast_in_dim3A_38, %broadcast_in_dim3A_38, %broadcast_in_dim3A_38, %broadcast_in_dim3A_38, %broadcast_in_dim3A_38, %slice3A_39, %slice3A_40, %slice3A_41, %slice3A_42, %slice3A_43, %slice3A_44, %broadcast_in_dim3A_38 in 2 : vector<8x32x32xf32>, vector<8x32x32xf32>, vector<8x32x32xf32>, vector<8x32x32xf32>, vector<8x32x32xf32>, vector<8x32x32xf32>, vector<8x32x32xf32>, vector<8x32x32xf32>, vector<8x32x32xf32>, vector<8x32x32xf32>, vector<8x32x32xf32>, vector<8x32x32xf32>, vector<8x32x32xf32>, vector<8x32x32xf32>, vector<8x32x32xf32>, vector<8x32x32xf32>, vector<8x32x32xf32>, vector<8x32x32xf32>, vector<8x32x32xf32>, vector<8x32x32xf32>, vector<8x32x32xf32>, vector<8x32x32xf32>, vector<8x32x32xf32>, vector<8x32x32xf32>, vector<8x32x32xf32>, vector<8x32x32xf32>, vector<8x32x32xf32>, vector<8x32x32xf32>, vector<8x32x32xf32>, vector<8x32x32xf32>, vector<8x32x32xf32>, vector<8x32x32xf32> -> vector<8x32x1024xf32>
    %add3A_47 = arith.addf %slice3A_45, %concatenate3A_46 : vector<8x32x1024xf32>
    %get3A_48 = arith.constant 0 : index
    %get3A_49 = arith.constant 0 : index
    %get3A_50 = vector.load %arg1[%get3A_48, %get3A_49] : memref<32x1024xf32, #tpu.memory_space<vmem>>, vector<32x1024xf32>
    %broadcast_in_dim3A_51 = vector.shape_cast %get3A_50 : vector<32x1024xf32> to vector<1x32x1024xf32>
    %mul3A = vector.broadcast %broadcast_in_dim3A_51 : vector<1x32x1024xf32> to vector<8x32x1024xf32>
    %mul3A_52 = arith.mulf %add3A_47, %mul3A : vector<8x32x1024xf32>
    %swap3A = arith.constant 0 : index
    %swap3A_53 = arith.constant 0 : index
    %swap3A_54 = arith.constant 0 : index
    %swap3A_55 = vector.load %arg2[%swap3A, %swap3A_53, %swap3A_54] : memref<8x32x1024xf32, #tpu.memory_space<vmem>>, vector<8x32x1024xf32>
    tpu.vector_store %arg2[%swap3A, %swap3A_53, %swap3A_54], %mul3A_52 {strides = array<i32>} : memref<8x32x1024xf32, #tpu.memory_space<vmem>>, vector<8x32x1024xf32>,
    return
  }
}

</mosaic_0001>

<sc_bundles>
// kernel: kernel.4.cloned.1.call-start
scs
__scs_entry_jumppad:
0x0: {  	(pc) =	sbr.rel $0x88, $3  }
0x1: {  	(tag) =	ssettag $0x0;
	lr =	simm.s32 $0x1  }
0x2: {  	[smem:$0x3F9E] =	sst lr;
	_ =	strace $0xD0000000  }
0x3: {  	_ = 	snop  }
0x4: {  	_ = 	snop  }
0x5: {  	_ = 	snop  }
0x6: {  	_ = 	snop  }
0x7: {  	_ = 	snop  }
__scs_overlays_trampoline_lowered:
0x8: {  	[smem:$0x3FAD] =	sst s0  }
0x9: {  	[smem:$0x3FAE] =	sst s1  }
0xa: {  	[smem:$0x3FAF] =	sst s2  }
0xb: {  	[smem:$0x3FB0] =	sst s3  }
0xc: {  	[smem:$0x3FB1] =	sst s4  }
0xd: {  	[smem:$0x3FB2] =	sst s5  }
0xe: {  	[smem:$0x3FB3] =	sst s6  }
0xf: {  	[smem:$0x3FB4] =	sst s7  }
0x10: {  	[smem:$0x3FB5] =	sst s8  }
0x11: {  	[smem:$0x3FB6] =	sst s9;
	s0 =	simm.s32 @!p0 $0x0  }
0x12: {  	s1 =	sld [smem:$0x3F9C];
	s0 =	simm.s32 @p0 $0x1  }
0x13: {  	[smem:$0x3FB7] =	sst s0;
	s0 =	simm.s32 @!p1 $0x0  }
0x14: {  	s2 =	sld [smem:$0x3F9B];
	s0 =	simm.s32 @p1 $0x1  }
0x15: {  	[smem:$0x3FB8] =	sst s0;
	s0 =	simm.s32 @!p2 $0x0  }
0x16: {  	s3 =	sld [smem:$0x3FDB];
	s0 =	simm.s32 @p2 $0x1  }
0x17: {  	s4 =	simm.s32 $0x1BF5;
	[smem:$0x3FBA] =	sst s0  }
0x18: {  	s0 =	sld [smem:$0x3F9D];
	_ =	swait.ge [sflag:s4], $0x0  }
0x19: {  	s7 =	sld [smem:$0x3F9E]  }
0x1a: {  	s8 =	sadd.s32 $0xFFFFE003, lr  }
0x1b: {  	s9 =	sadd.s32 $0xFFFFFEF7, lr;
	s5 =	simm.s32 $0xFFFFFFFF;
	p2 =	slt.u32 s8, $0xFFFFF086  }
0x1c: {  	p1 =	slt.u32 s9, $0xF7A;
	s5 =	simm.s32 @!p2 $0x0  }
0x1d: {  	s5 =	simm.s32 @p1 $0x1;
	p0 =	seq.s32 s7, s2  }
0x1e: {  	s7 =	smul.u32 @!p0 $0xF7A, s2;
	p2 =	seq.s32 @!p0 s5, $0x0  }
0x1f: {  	s9 =	smul.u32 $0xF7A, s1;
	s8 =	simm.s32 @!p0 $0x1BF5;
	p2 =	por !p2, p0  }
0x20: {  	[sflag:s8] =	ssyncset.s32 @!p0 $0xFFFFF086;
	s6 =	sadd.s32 @!p0 s3, s7;
	s7 =	simm.s32 @!p0 $0x108  }
0x21: {  	s3 =	sadd.s32 s3, s9;
	s6 =	sadd.s32 @!p0 $0x88, s6;
	s7 =	simm.s32 @p2 $0x1082  }
0x22: {  	[simem:s7], [sflag:s8] =	dma.local @!p0 [hbm:s6], $0xF7A  }
0x23: {  	s9 =	sor.u32 $0xD0000000, s2;
	s6 =	simm.s32 $0x108;
	_ =	swait.ge @!p0 [sflag:s8], $0x0  }
0x24: {  	s3 =	sadd.s32 $0x88, s3;
	s6 =	simm.s32 @!p1 $0x1082;
	[sflag:s4] =	ssyncset.s32 $0xFFFFF086  }
0x25: {  	[simem:s6], [sflag:s4] =	dma.local [hbm:s3], $0xF7A  }
0x26: {  	[smem:$0x3F9E] =	sst s1;
	(tag) =	ssettag s2;
	_ =	strace s9  }
0x27: {  	s1 =	sld [smem:$0x3FAE]  }
0x28: {  	s2 =	sld [smem:$0x3FAF]  }
0x29: {  	s4 =	sld [smem:$0x3FB1]  }
0x2a: {  	p0 =	seq.s32 s5, $0x0;
	s5 =	sld [smem:$0x3FB2]  }
0x2b: {  	s6 =	sld [smem:$0x3FB3]  }
0x2c: {  	s7 =	sld [smem:$0x3FB4]  }
0x2d: {  	s3 =	simm.s32 $0x108;
	s8 =	sld [smem:$0x3FB5]  }
0x2e: {  	s3 =	simm.s32 @!p0 $0x1082;
	s9 =	sld [smem:$0x3FB6]  }
0x2f: {  	lr =	sadd.s32 s0, s3;
	s0 =	sld [smem:$0x3FAD]  }
0x30: {  	s3 =	sld [smem:$0x3FB0]  }
0x31: {  	[smem:$0x3FB9] =	sst s10  }
0x32: {  	s10 =	sld [smem:$0x3FB7];
	_ =	sdelay $0x3  }
0x33: {  	p0 =	seq.s32 s10, $0x1;
	s10 =	sld [smem:$0x3FB9];
	_ =	sdelay $0x3  }
0x34: {  	[smem:$0x3FB9] =	sst s10  }
0x35: {  	s10 =	sld [smem:$0x3FB8];
	_ =	sdelay $0x3  }
0x36: {  	p1 =	seq.s32 s10, $0x1;
	s10 =	sld [smem:$0x3FB9];
	_ =	sdelay $0x3  }
0x37: {  	[smem:$0x3FB9] =	sst s10  }
0x38: {  	s10 =	sld [smem:$0x3FBA]  }
0x39: {  	_ = 	snop;
	(pc) =	sbr.ind lr, $3  }
0x3a: {  	_ = 	snop  }
0x3b: {  	_ = 	snop  }
0x3c: {  	p2 =	seq.s32 s10, $0x1;
	s10 =	sld [smem:$0x3FB9]  }
0x3d: {  	_ =	shalt  }
0x3e: {  	_ =	shalt  }
0x3f: {  	_ =	shalt  }
0x40: {  	_ =	shalt  }
0x41: {  	_ =	shalt  }
0x42: {  	_ =	shalt  }
0x43: {  	_ =	shalt  }
0x44: {  	_ =	shalt  }
0x45: {  	_ =	shalt  }
0x46: {  	_ =	shalt  }
0x47: {  	_ =	shalt  }
0x48: {  	_ =	shalt  }
0x49: {  	_ =	shalt  }
0x4a: {  	_ =	shalt  }
0x4b: {  	_ =	shalt  }
0x4c: {  	_ =	shalt  }
0x4d: {  	_ =	shalt  }
0x4e: {  	_ =	shalt  }
0x4f: {  	_ =	shalt  }
0x50: {  	_ =	shalt  }
0x51: {  	_ =	shalt  }
0x52: {  	_ =	shalt  }
0x53: {  	_ =	shalt  }
0x54: {  	_ =	shalt  }
0x55: {  	_ =	shalt  }
0x56: {  	_ =	shalt  }
0x57: {  	_ =	shalt  }
0x58: {  	_ =	shalt  }
0x59: {  	_ =	shalt  }
0x5a: {  	_ =	shalt  }
0x5b: {  	_ =	shalt  }
0x5c: {  	_ =	shalt  }
0x5d: {  	_ =	shalt  }
0x5e: {  	_ =	shalt  }
0x5f: {  	_ =	shalt  }
0x60: {  	_ =	shalt  }
0x61: {  	_ =	shalt  }
0x62: {  	_ =	shalt  }
0x63: {  	_ =	shalt  }
0x64: {  	_ =	shalt  }
0x65: {  	_ =	shalt  }
0x66: {  	_ =	shalt  }
0x67: {  	_ =	shalt  }
0x68: {  	_ =	shalt  }
0x69: {  	_ =	shalt  }
0x6a: {  	_ =	shalt  }
0x6b: {  	_ =	shalt  }
0x6c: {  	_ =	shalt  }
0x6d: {  	_ =	shalt  }
0x6e: {  	_ =	shalt  }
0x6f: {  	_ =	shalt  }
0x70: {  	_ =	shalt  }
0x71: {  	_ =	shalt  }
0x72: {  	_ =	shalt  }
0x73: {  	_ =	shalt  }
0x74: {  	_ =	shalt  }
0x75: {  	_ =	shalt  }
0x76: {  	_ =	shalt  }
0x77: {  	_ =	shalt  }
0x78: {  	_ =	shalt  }
0x79: {  	_ =	shalt  }
0x7a: {  	_ =	shalt  }
0x7b: {  	_ =	shalt  }
0x7c: {  	_ =	shalt  }
0x7d: {  	_ =	shalt  }
0x7e: {  	_ =	shalt  }
0x7f: {  	_ =	shalt  }
0x80: {  	_ =	shalt  }
0x81: {  	_ =	shalt  }
0x82: {  	_ =	shalt  }
0x83: {  	_ =	shalt  }
0x84: {  	_ =	shalt  }
0x85: {  	_ =	shalt  }
0x86: {  	_ =	shalt  }
0x87: {  	_ =	shalt  }
.Lfunc_end0:
.L_simem_size_0:
called_computation_lowered:
.L_overlay_start_0:
0x88: {  	s2 =	sld [smem:$0x3FD9]  }
0x89: {  	s3 =	sld [smem:$0x3FFE];
	_ =	sdelay $0x1  }
0x8a: {  	s1 =	srdreg.scid  }
0x8b: {  	s0 =	sand.u32 $0x1, s1  }
0x8c: {  	s17 =	sshll.u32 s0, $0xA;
	s2 =	sadd.s32 s3, s2  }
0x8d: {  	s2 =	sadd.s32 s2, s17  }
0x8e: {  	[smem:$0x3FC5] =	sst s2  }
0x8f: {  	_ = 	snop  }
0x90: {  	s2 =	sld [smem:$0x3FD0];
	(tm) =	ssettm $0x1  }
0x91: {  	s18 =	sld [smem:$0x3FFB];
	_ =	sdelay $0x3  }
0x92: {  	_ =	strace s18  }
0x93: {  	s3 =	sld [smem:$0x3FFC];
	_ =	sdelay $0x3  }
0x94: {  	_ =	strace s3  }
0x95: {  	s3 =	sld [smem:$0x3FFD];
	_ =	sdelay $0x3  }
0x96: {  	_ =	strace s3  }
0x97: {  	_ =	strace $0x8FFFFFFF  }
0x98: {  	s19 =	sld [smem:$0x3FDB];
	_ =	sdelay $0x1  }
0x99: {  	s4 =	simm.s32 $_scs_section_size  }
0x9a: {  	s5 =	simm.s32 $_size__tile_overlayer_lowered;
	s6 =	simm.s32 $_tile_overlayer_lowered  }
0x9b: {  	s22 =	simm.s32 $0x1BFF;
	s21 =	sshll.u32 s6, $0x1;
	s3 =	sadd.s32 s4, s19  }
0x9c: {  	s7 =	simm.s32 $0x0;
	s20 =	sshll.u32 s5, $0x1;
	s5 =	sadd.s32 s21, s3  }
0x9d: {  	[timem:s7], [sflag:s22] =	dma.local [hbm:s5], s20  }
0x9e: {  	_ =	swait.ge [sflag:s22], s20  }
0x9f: {  	s4 =	ssub.s32 $0x0, s20;
	[sflag:s22] =	ssyncset.done $0x0  }
0xa0: {  	[sflag:s22] =	ssyncadd.s32 s4;
	_ =	sdelay $0x1  }
0xa1: {  	s23 =	simm.s32 $0x1B8B  }
0xa2: {  	_ =	swait.ge [sflag:s23], $0x1  }
0xa3: {  	[sflag:s23] =	ssyncset.done $0x0  }
0xa4: {  	s25 =	simm.s32 $0x1B8E;
	s24 =	sld [smem:$0x3FFE];
	[sflag:s23] =	ssyncadd.s32 $0xFFFFFFFF  }
0xa5: {  	s26 =	simm.s32 $execute0_lowered;
	[smem:$0x3FD2] =	sst s25  }
0xa6: {  	s5 =	sshll.u32 s26, $0x1;
	_ =	strace $0x80000046;
	[dreg:$0x1] =	wrdreg $0xFFFFFFFF  }
0xa7: {  	s28 =	simm.s32 $_size_execute0_lowered;
	s3 =	sadd.s32 s3, s5;
	[dreg:$0x0] =	wrdreg $0x0  }
0xa8: {  	s5 =	sshll.u32 s28, $0x1;
	[dreg:$0x2] =	wrdreg s3  }
0xa9: {  	[dreg:$0x3] =	wrdreg s5  }
0xaa: {  	[dreg:$0x4] =	wrdreg $0xC0  }
0xab: {  	_ =	task [dreg:s7], $0x5FFFF  }
0xac: {  	[dreg:$0x1] =	wrdreg $0xFFFFFFFF  }
0xad: {  	[dreg:$0x0] =	wrdreg $0x60  }
0xae: {  	[dreg:$0x2] =	wrdreg s24  }
0xaf: {  	[dreg:$0x3] =	wrdreg s2  }
0xb0: {  	[dreg:$0x4] =	wrdreg $0x9  }
0xb1: {  	_ =	task.clear_ibuf [dreg:s7], $0x5FFFF;
	_ =	strace $0x90000046  }
0xb2: {  	s29 =	simm.s32 $0x9;
	_ =	strace $0x80000048  }
0xb3: {  	_ =	swait.ge [sflag:s29], $0x1  }
0xb4: {  	[sflag:s29] =	ssyncadd.s32 $0xFFFFFFFF  }
0xb5: {  	_ =	strace $0x90000048  }
0xb6: {  	_ =	sfence  }
0xb7: {  	s30 =	sld [smem:$0x0];
	_ =	sdelay $0x2  }
0xb8: {  	s31 =	sshll.u32 s1, $0xD;
	s1 =	sshrl.u32 s1, $0x2  }
0xb9: {  	s3 =	sand.u32 $0x4000, s31;
	s1 =	sadd.s32 s1, s30  }
0xba: {  	s0 =	sor.u32 s3, s0;
	s1 =	sshll.u32 s1, $0x11  }
0xbb: {  	s0 =	sor.u32 s1, s0  }
0xbc: {  	s0 =	sadd.s32 $0x8F2B, s0  }
0xbd: {  	[sflag:s0] =	ssyncadd.remote.s32 $0x1  }
0xbe: {  	_ =	sfence.sel $0xFFFF  }
0xbf: {  	[dreg:$0x0] =	wrdreg $0xFFFFFFFF;
	(pc) =	sbr.abs _section_cstart, $3  }
0xc0: {  	[dreg:$0x1] =	wrdreg $0xFFFFFFFF  }
0xc1: {  	_ =	task.clear_ibuf [dreg:s7], $0x2FFFF;
	_ =	strace $0x9FFFFFFF  }
0xc2: {  	(tm) =	ssettm $0x7FFFFFFF  }
0xc3: {  	_ =	shalt  }
tec
execute0_lowered:
.L_overlay_start_1:
0x0: {  	(tag) =	ssettag $0x1  }
0x1: {  	s3 =	rddreg [dreg:$0x0]  }
0x2: {  	s6 =	rddreg [dreg:$0x1]  }
0x3: {  	s0 =	rddreg [dreg:$0x2];
	s2 =	simm.s32 $0x0  }
0x4: {  	s1 =	stileid.u32;
	s4 =	srdreg.scid;
	s11 =	simm.s32 $0x400  }
0x5: {  	s12 =	simm.s32 $0xB480;
	s13 =	simm.s32 $0xBE80;
	s14 =	simm.s32 $0xC880  }
0x6: {  	s15 =	simm.s32 $0x0;
	[smem:$0x7FF] =	sst s2;
	s4 =	sand.u32 $0x1, s4  }
0x7: {  	s5 =	sshrl.u32 s1, $0x2;
	s7 =	sshll.u32 s1, $0x8;
	s10 =	sshll.u32 s1, $0x2  }
0x8: {  	s8 =	sshll.u32 s4, $0x7;
	s7 =	sand.u32 $0x300, s7;
	s9 =	smul.u32 $0x5000, s5  }
0x9: {  	_ =	strace $0x80000047;
	s28 =	sand.u32 $0x30, s10;
	s5 =	smul.u32 $0x21400, s5  }
0xa: {  	s4 =	ssub.s32 $0x2, s4;
	s10 =	simm.s32 $0x1;
	s7 =	sor.u32 s8, s7  }
0xb: {  	s8 =	sadd.s32 s28, s3;
	s29 =	sshrl.u32 s4, $0x1;
	s9 =	sor.u32 s9, s7  }
0xc: {  	s5 =	sor.u32 s5, s7;
	s30 =	ssub.s32 s4, s29;
	s9 =	sshrl.u32 s9, $0x3  }
0xd: {  	s31 =	sshrl.u32 s5, $0x3;
	s7 =	smax.u32 s30, $0x1;
	s9 =	sadd.s32 s9, s3  }
0xe: {  	s3 =	sadd.s32 $0xC00, s8;
	s6 =	sadd.s32 s6, s31;
	s8 =	simm.s32 $0x80  }
0xf: {  	v0 =	vlaneseq.u32;
	v1 =	vimm.f32 $0.0e+00;
	s4 =	sadd.s32 $0x9000, s9;
	s5 =	sadd.s32 $0x6800, s9;
	s9 =	simm.s32 $0x200  }
.LBB2_1:
0x10: {  	[tilespmem:s2], [sflag:$0x1] =	stream.strided.gather [hbm4b:s3+s8], $0xB480, s9, s8, $0x38;
	[tilespmem:$0x10B00] =	vst v63  }
0x11: {  	_ =	swait.ge [sflag:s10], $0xB480  }
0x12: {  	[sflag:s10] =	ssyncset.done $0x0  }
0x13: {  	[sflag:s10] =	ssyncadd.s32 $0xFFFF4B80  }
0x14: {  	[tilespmem:s12], [sflag:$0x1] =	stream.strided.gather [hbm4b:s4+s8], $0xA00, s11, s8, $0x38;
	[tilespmem:$0x10B00] =	vst v63  }
0x15: {  	_ =	swait.ge [sflag:s10], $0xA00  }
0x16: {  	[sflag:s10] =	ssyncset.done $0x0  }
0x17: {  	v2 =	vor.u32 s2, v0;
	[sflag:s10] =	ssyncadd.s32 $0xFFFFF600  }
0x18: {  	[tilespmem:s13], [sflag:$0x1] =	stream.strided.gather [hbm4b:s5+s8], $0xA00, s11, s8, $0x38;
	[tilespmem:$0x10B00] =	vst v63  }
0x19: {  	_ =	swait.ge [sflag:s10], $0xA00  }
0x1a: {  	[sflag:s10] =	ssyncset.done $0x0  }
0x1b: {  	s17 =	simm.s32 $0x10;
	s16 =	simm.s32 $0xC880;
	[sflag:s10] =	ssyncadd.s32 $0xFFFFF600  }
.LBB2_2:
0x1c: {  	p0 =	sne.s32 s17, $0x4270;
	[tilespmem:v2+s16+$0x0] =	vst.idx.msk $0xffff, v1;
	s16 =	smov.u32 s17;
	s17 =	sadd.s32 $0x10, s17  }
.Ltmp0:
0x1d: {  	v2 =	vor.u32 s16, v0;
	(pc) =	sbr.rel @p0 .LBB2_2-.Ltmp0, $2  }
0x1e: {  	_ =	sdelay $0x2  }
0x1f: {  	s16 =	simm.s32 $0xC880  }
0x20: {  	_ =	sdelay $0x3  }
0x21: {  	[tilespmem:v2+s16+$0x0] =	vst.idx.msk $0xffff, v1;
	s17 =	simm.s32 $0x0;
	s18 =	simm.s32 $0x0;
	s19 =	simm.s32 $0x0  }
.LBB2_4:
0x22: {  	s20 =	smul.u32 $0xA, s19;
	_ =	sdelay $0x1  }
0x23: {  	v2 =	vld [tilespmem:s20+$0xB480];
	_ =	sdelay $0x4  }
0x24: {  	v2 =	vshll.u32 v2, $0x2  }
0x25: {  	v3 =	vadd.s32 $0x180, v2  }
0x26: {  	(v2sf) =	vpush v3, $0x5  }
0x27: {  	(v2sf) =	vpush v2, $0x4  }
0x28: {  	(v2sf) =	vpush v2, $0x3  }
0x29: {  	(v2sf) =	vpush v2, $0x2  }
0x2a: {  	(v2sf) =	vpush v2, $0x1  }
0x2b: {  	(v2sf) =	vpush v2, $0x0;
	_ =	sdelay $0x1  }
0x2c: {  	(v2sf) =	vpush v3, $0x9  }
0x2d: {  	(v2sf) =	vpush v3, $0x8  }
0x2e: {  	(v2sf) =	vpush v3, $0x7  }
0x2f: {  	(v2sf) =	vpush v3, $0x6;
	_ =	sdelay $0x4  }
0x30: {  	s21 =	spop (v2sf)  }
0x31: {  	s22 =	spop (v2sf)  }
0x32: {  	s23 =	spop (v2sf)  }
0x33: {  	s24 =	spop (v2sf)  }
0x34: {  	s23 =	sshra.s32 s23, $0x2;
	s25 =	spop (v2sf)  }
0x35: {  	s24 =	sshra.s32 s24, $0x2;
	v19 =	vmov s23;
	s26 =	spop (v2sf)  }
0x36: {  	s25 =	sshra.s32 s25, $0x2;
	v15 =	vmov s24;
	s26 =	sshra.s32 s26, $0x2  }
0x37: {  	v6 =	vmov s25;
	v3 =	vmov s26;
	s26 =	spop (v2sf)  }
0x38: {  	s21 =	sshra.s32 s21, $0x2;
	s28 =	spop (v2sf)  }
0x39: {  	v21 =	vld [tilespmem:s20+$0xBE80];
	s30 =	sshra.s32 s22, $0x2;
	v8 =	vmov s21;
	s29 =	spop (v2sf)  }
0x3a: {  	v20 =	vmov s30;
	v24 =	vld.idx.msk [tilespmem:v19+s17+$0x0 ss:$0x1], $0xffff;
	s31 =	spop (v2sf);
	s24 =	sshra.s32 s29, $0x2  }
0x3b: {  	v23 =	vld.idx.msk [tilespmem:v15+s17+$0x0 ss:$0x1], $0xffff;
	s23 =	sshra.s32 s31, $0x2;
	v9 =	vmov s24  }
0x3c: {  	s25 =	sshra.s32 s28, $0x2;
	v22 =	vld.idx.msk [tilespmem:v6+s17+$0x0 ss:$0x1], $0xffff;
	v7 =	vmov s23  }
0x3d: {  	s28 =	sshra.s32 s26, $0x2;
	v16 =	vmov s25;
	v14 =	vld.idx.msk [tilespmem:v3+s17+$0x0 ss:$0x1], $0xffff  }
0x3e: {  	v11 =	vbroadcast v21, $0x0;
	v12 =	vbroadcast v21, $0x1;
	v26 =	vld.idx.msk [tilespmem:v8+s17+$0xFFFFFFA0 ss:$0x1], $0xffff;
	v10 =	vmov s28  }
0x3f: {  	v17 =	vbroadcast v21, $0x2;
	v18 =	vbroadcast v21, $0x3;
	v25 =	vld.idx.msk [tilespmem:v20+s17+$0x0 ss:$0x1], $0xffff  }
0x40: {  	v13 =	vbroadcast v21, $0x4;
	v5 =	vbroadcast v21, $0x5;
	v28 =	vld.idx.msk [tilespmem:v9+s17+$0xFFFFFFA0 ss:$0x1], $0xffff  }
0x41: {  	v24 =	vmul.bf16 v18, v24;
	v22 =	vmul.bf16 v12, v22;
	v27 =	vld.idx.msk [tilespmem:v7+s17+$0xFFFFFFA0 ss:$0x1], $0xffff  }
0x42: {  	v30 =	vld.idx.msk [tilespmem:v16+s17+$0xFFFFFFA0 ss:$0x1], $0xffff;
	v23 =	vmul.bf16 v17, v23;
	v29 =	vmul.bf16 v11, v14  }
0x43: {  	v4 =	vbroadcast v21, $0x6;
	v31 =	vld.idx.msk [tilespmem:v10+s17+$0xFFFFFFA0 ss:$0x1], $0xffff;
	v22 =	vadd.bf16 v24, v22;
	v24 =	vmul.bf16 v5, v26  }
0x44: {  	v2 =	vbroadcast v21, $0x7;
	v25 =	vmul.bf16 v13, v25;
	v23 =	vadd.bf16 v23, v29  }
0x45: {  	v14 =	vbroadcast v21, $0x8;
	v21 =	vbroadcast v21, $0x9;
	v22 =	vadd.bf16 v24, v22  }
0x46: {  	v23 =	vadd.bf16 v25, v23;
	v24 =	vmul.bf16 v2, v28;
	v26 =	vmul.bf16 v4, v27  }
0x47: {  	v25 =	vmul.bf16 v14, v30  }
0x48: {  	v22 =	vadd.bf16 v24, v22;
	v24 =	vmul.bf16 v21, v31;
	v23 =	vadd.bf16 v26, v23  }
0x49: {  	s29 =	sshrl.u32 s19, $0x5  }
0x4a: {  	s30 =	smul.u32 $0x300, s29;
	v22 =	vadd.bf16 v24, v22;
	v23 =	vadd.bf16 v25, v23;
	_ =	sdelay $0x1  }
0x4b: {  	s20 =	sshra.s32 s30, $0x2;
	v22 =	vadd.bf16 v22, v23  }
0x4c: {  	s22 =	sadd.s32 s20, s16  }
0x4d: {  	s31 =	sadd.s32 $0x0, s22;
	v23 =	vunpack.i.l.bf16.f32 v22  }
0x4e: {  	v22 =	vunpack.i.u.bf16.f32 v22;
	[tilespmem:s31+$0x0] =	vst.add.f32.msk $0xffff, v23  }
0x4f: {  	[tilespmem:s31+$0x10] =	vst.add.f32.msk $0xffff, v22  }
0x50: {  	v22 =	vld.idx.msk [tilespmem:v3+s17+$0x10 ss:$0x1], $0xffff  }
0x51: {  	v23 =	vld.idx.msk [tilespmem:v6+s17+$0x10 ss:$0x1], $0xffff  }
0x52: {  	v24 =	vld.idx.msk [tilespmem:v15+s17+$0x10 ss:$0x1], $0xffff  }
0x53: {  	v25 =	vld.idx.msk [tilespmem:v19+s17+$0x10 ss:$0x1], $0xffff  }
0x54: {  	v26 =	vld.idx.msk [tilespmem:v20+s17+$0x10 ss:$0x1], $0xffff  }
0x55: {  	v27 =	vld.idx.msk [tilespmem:v8+s17+$0xFFFFFFB0 ss:$0x1], $0xffff  }
0x56: {  	v28 =	vld.idx.msk [tilespmem:v7+s17+$0xFFFFFFB0 ss:$0x1], $0xffff  }
0x57: {  	v29 =	vld.idx.msk [tilespmem:v9+s17+$0xFFFFFFB0 ss:$0x1], $0xffff;
	v22 =	vmul.bf16 v11, v22;
	v23 =	vmul.bf16 v12, v23  }
0x58: {  	v30 =	vld.idx.msk [tilespmem:v16+s17+$0xFFFFFFB0 ss:$0x1], $0xffff;
	v24 =	vmul.bf16 v17, v24;
	v25 =	vmul.bf16 v18, v25  }
0x59: {  	v31 =	vld.idx.msk [tilespmem:v10+s17+$0xFFFFFFB0 ss:$0x1], $0xffff;
	v26 =	vmul.bf16 v13, v26  }
0x5a: {  	v22 =	vadd.bf16 v24, v22;
	v23 =	vadd.bf16 v25, v23;
	v24 =	vmul.bf16 v5, v27  }
0x5b: {  	v25 =	vmul.bf16 v4, v28  }
0x5c: {  	v22 =	vadd.bf16 v26, v22;
	v23 =	vadd.bf16 v24, v23;
	v24 =	vmul.bf16 v2, v29  }
0x5d: {  	v26 =	vmul.bf16 v14, v30  }
0x5e: {  	v22 =	vadd.bf16 v25, v22;
	v23 =	vadd.bf16 v24, v23;
	v24 =	vmul.bf16 v21, v31;
	_ =	sdelay $0x1  }
0x5f: {  	v22 =	vadd.bf16 v26, v22;
	v23 =	vadd.bf16 v24, v23;
	_ =	sdelay $0x1  }
0x60: {  	v22 =	vadd.bf16 v23, v22;
	_ =	sdelay $0x1  }
0x61: {  	v23 =	vunpack.i.l.bf16.f32 v22  }
0x62: {  	v22 =	vunpack.i.u.bf16.f32 v22;
	[tilespmem:s31+$0x20] =	vst.add.f32.msk $0xffff, v23  }
0x63: {  	[tilespmem:s31+$0x30] =	vst.add.f32.msk $0xffff, v22  }
0x64: {  	v22 =	vld.idx.msk [tilespmem:v3+s17+$0x20 ss:$0x1], $0xffff  }
0x65: {  	v23 =	vld.idx.msk [tilespmem:v6+s17+$0x20 ss:$0x1], $0xffff  }
0x66: {  	v24 =	vld.idx.msk [tilespmem:v15+s17+$0x20 ss:$0x1], $0xffff  }
0x67: {  	v25 =	vld.idx.msk [tilespmem:v19+s17+$0x20 ss:$0x1], $0xffff  }
0x68: {  	v26 =	vld.idx.msk [tilespmem:v20+s17+$0x20 ss:$0x1], $0xffff  }
0x69: {  	v27 =	vld.idx.msk [tilespmem:v8+s17+$0xFFFFFFC0 ss:$0x1], $0xffff  }
0x6a: {  	v28 =	vld.idx.msk [tilespmem:v7+s17+$0xFFFFFFC0 ss:$0x1], $0xffff  }
0x6b: {  	v29 =	vld.idx.msk [tilespmem:v9+s17+$0xFFFFFFC0 ss:$0x1], $0xffff;
	v22 =	vmul.bf16 v11, v22;
	v23 =	vmul.bf16 v12, v23  }
0x6c: {  	v30 =	vld.idx.msk [tilespmem:v16+s17+$0xFFFFFFC0 ss:$0x1], $0xffff;
	v24 =	vmul.bf16 v17, v24;
	v25 =	vmul.bf16 v18, v25  }
0x6d: {  	v31 =	vld.idx.msk [tilespmem:v10+s17+$0xFFFFFFC0 ss:$0x1], $0xffff;
	v26 =	vmul.bf16 v13, v26  }
0x6e: {  	v22 =	vadd.bf16 v24, v22;
	v23 =	vadd.bf16 v25, v23;
	v24 =	vmul.bf16 v5, v27  }
0x6f: {  	v25 =	vmul.bf16 v4, v28  }
0x70: {  	v22 =	vadd.bf16 v26, v22;
	v23 =	vadd.bf16 v24, v23;
	v24 =	vmul.bf16 v2, v29  }
0x71: {  	v26 =	vmul.bf16 v14, v30  }
0x72: {  	v22 =	vadd.bf16 v25, v22;
	v23 =	vadd.bf16 v24, v23;
	v24 =	vmul.bf16 v21, v31;
	_ =	sdelay $0x1  }
0x73: {  	v22 =	vadd.bf16 v26, v22;
	v23 =	vadd.bf16 v24, v23;
	_ =	sdelay $0x1  }
0x74: {  	v22 =	vadd.bf16 v23, v22;
	_ =	sdelay $0x1  }
0x75: {  	v23 =	vunpack.i.l.bf16.f32 v22  }
0x76: {  	v22 =	vunpack.i.u.bf16.f32 v22;
	[tilespmem:s31+$0x40] =	vst.add.f32.msk $0xffff, v23  }
0x77: {  	[tilespmem:s31+$0x50] =	vst.add.f32.msk $0xffff, v22  }
0x78: {  	v22 =	vld.idx.msk [tilespmem:v3+s17+$0x30 ss:$0x1], $0xffff  }
0x79: {  	v23 =	vld.idx.msk [tilespmem:v6+s17+$0x30 ss:$0x1], $0xffff  }
0x7a: {  	v24 =	vld.idx.msk [tilespmem:v15+s17+$0x30 ss:$0x1], $0xffff  }
0x7b: {  	v25 =	vld.idx.msk [tilespmem:v19+s17+$0x30 ss:$0x1], $0xffff  }
0x7c: {  	v26 =	vld.idx.msk [tilespmem:v20+s17+$0x30 ss:$0x1], $0xffff  }
0x7d: {  	v27 =	vld.idx.msk [tilespmem:v8+s17+$0xFFFFFFD0 ss:$0x1], $0xffff  }
0x7e: {  	v28 =	vld.idx.msk [tilespmem:v7+s17+$0xFFFFFFD0 ss:$0x1], $0xffff  }
0x7f: {  	v29 =	vld.idx.msk [tilespmem:v9+s17+$0xFFFFFFD0 ss:$0x1], $0xffff;
	v22 =	vmul.bf16 v11, v22;
	v23 =	vmul.bf16 v12, v23  }
0x80: {  	v30 =	vld.idx.msk [tilespmem:v16+s17+$0xFFFFFFD0 ss:$0x1], $0xffff;
	v24 =	vmul.bf16 v17, v24;
	v25 =	vmul.bf16 v18, v25  }
0x81: {  	v31 =	vld.idx.msk [tilespmem:v10+s17+$0xFFFFFFD0 ss:$0x1], $0xffff;
	v26 =	vmul.bf16 v13, v26  }
0x82: {  	s20 =	simm.s32 $0x260;
	v22 =	vadd.bf16 v24, v22;
	v23 =	vadd.bf16 v25, v23;
	v24 =	vmul.bf16 v5, v27  }
0x83: {  	v32 =	vld.idx.msk [tilespmem:v10+s20+$0xFFFFFFA0 ss:$0x1], $0xffff;
	v27 =	vmul.bf16 v4, v28  }
0x84: {  	v25 =	vld.idx.msk [tilespmem:v3+s20+$0x0 ss:$0x1], $0xffff;
	v22 =	vadd.bf16 v26, v22;
	v23 =	vadd.bf16 v24, v23;
	v24 =	vmul.bf16 v2, v29  }
0x85: {  	v26 =	vld.idx.msk [tilespmem:v15+s20+$0x0 ss:$0x1], $0xffff;
	v29 =	vmul.bf16 v14, v30  }
0x86: {  	v30 =	vld.idx.msk [tilespmem:v19+s20+$0x0 ss:$0x1], $0xffff;
	v22 =	vadd.bf16 v27, v22;
	v23 =	vadd.bf16 v24, v23;
	v24 =	vmul.bf16 v21, v31  }
0x87: {  	v28 =	vld.idx.msk [tilespmem:v6+s20+$0x0 ss:$0x1], $0xffff  }
0x88: {  	v27 =	vld.idx.msk [tilespmem:v20+s20+$0x0 ss:$0x1], $0xffff;
	v22 =	vadd.bf16 v29, v22;
	v23 =	vadd.bf16 v24, v23  }
0x89: {  	v31 =	vld.idx.msk [tilespmem:v8+s20+$0xFFFFFFA0 ss:$0x1], $0xffff  }
0x8a: {  	v24 =	vld.idx.msk [tilespmem:v7+s20+$0xFFFFFFA0 ss:$0x1], $0xffff;
	v22 =	vadd.bf16 v23, v22  }
0x8b: {  	v29 =	vld.idx.msk [tilespmem:v9+s20+$0xFFFFFFA0 ss:$0x1], $0xffff;
	v26 =	vmul.bf16 v17, v26;
	v30 =	vmul.bf16 v18, v30  }
0x8c: {  	v23 =	vmul.bf16 v11, v25;
	v25 =	vmul.bf16 v12, v28;
	v28 =	vld.idx.msk [tilespmem:v16+s20+$0xFFFFFFA0 ss:$0x1], $0xffff;
	v33 =	vunpack.i.l.bf16.f32 v22  }
0x8d: {  	v27 =	vmul.bf16 v13, v27;
	v22 =	vunpack.i.u.bf16.f32 v22;
	[tilespmem:s31+$0x60] =	vst.add.f32.msk $0xffff, v33  }
0x8e: {  	v23 =	vadd.bf16 v26, v23;
	v25 =	vadd.bf16 v30, v25;
	v26 =	vmul.bf16 v5, v31;
	[tilespmem:s31+$0x70] =	vst.add.f32.msk $0xffff, v22  }
0x8f: {  	v22 =	vmul.bf16 v4, v24;
	v24 =	vld.idx.msk [tilespmem:v3+s17+$0x40 ss:$0x1], $0xffff  }
0x90: {  	v23 =	vadd.bf16 v27, v23;
	v25 =	vadd.bf16 v26, v25;
	v26 =	vmul.bf16 v2, v29;
	v27 =	vld.idx.msk [tilespmem:v6+s17+$0x40 ss:$0x1], $0xffff  }
0x91: {  	v29 =	vld.idx.msk [tilespmem:v15+s17+$0x40 ss:$0x1], $0xffff;
	v28 =	vmul.bf16 v14, v28  }
0x92: {  	v30 =	vld.idx.msk [tilespmem:v20+s17+$0x40 ss:$0x1], $0xffff;
	v22 =	vadd.bf16 v22, v23;
	v23 =	vadd.bf16 v26, v25;
	v25 =	vmul.bf16 v21, v32  }
0x93: {  	v26 =	vld.idx.msk [tilespmem:v19+s17+$0x40 ss:$0x1], $0xffff  }
0x94: {  	v31 =	vld.idx.msk [tilespmem:v16+s17+$0xFFFFFFE0 ss:$0x1], $0xffff;
	v22 =	vadd.bf16 v28, v22;
	v23 =	vadd.bf16 v25, v23  }
0x95: {  	v25 =	vld.idx.msk [tilespmem:v8+s17+$0xFFFFFFE0 ss:$0x1], $0xffff  }
0x96: {  	v28 =	vld.idx.msk [tilespmem:v7+s17+$0xFFFFFFE0 ss:$0x1], $0xffff;
	v22 =	vadd.bf16 v23, v22  }
0x97: {  	v24 =	vmul.bf16 v11, v24;
	v27 =	vmul.bf16 v12, v27;
	v23 =	vld.idx.msk [tilespmem:v9+s17+$0xFFFFFFE0 ss:$0x1], $0xffff  }
0x98: {  	s21 =	sadd.s32 $0x4C0, s22;
	v33 =	vld.idx.msk [tilespmem:v10+s17+$0xFFFFFFE0 ss:$0x1], $0xffff;
	v29 =	vmul.bf16 v17, v29;
	v26 =	vmul.bf16 v18, v26;
	v54 =	vunpack.i.l.bf16.f32 v22  }
0x99: {  	v30 =	vmul.bf16 v13, v30;
	v22 =	vunpack.i.u.bf16.f32 v22;
	[tilespmem:s21+$0x0] =	vst.add.f32.msk $0xffff, v54  }
0x9a: {  	[tilespmem:s21+$0x10] =	vst.add.f32.msk $0xffff, v22;
	v22 =	vadd.bf16 v29, v24;
	v24 =	vadd.bf16 v26, v27;
	v25 =	vmul.bf16 v5, v25  }
0x9b: {  	v27 =	vmul.bf16 v4, v28;
	v26 =	vld.idx.msk [tilespmem:v3+s20+$0x10 ss:$0x1], $0xffff  }
0x9c: {  	v28 =	vld.idx.msk [tilespmem:v6+s20+$0x10 ss:$0x1], $0xffff;
	v22 =	vadd.bf16 v30, v22;
	v24 =	vadd.bf16 v25, v24;
	v23 =	vmul.bf16 v2, v23  }
0x9d: {  	v29 =	vmul.bf16 v14, v31;
	v31 =	vld.idx.msk [tilespmem:v8+s20+$0xFFFFFFB0 ss:$0x1], $0xffff  }
0x9e: {  	v32 =	vld.idx.msk [tilespmem:v10+s20+$0xFFFFFFB0 ss:$0x1], $0xffff;
	v22 =	vadd.bf16 v27, v22;
	v23 =	vadd.bf16 v23, v24;
	v24 =	vmul.bf16 v21, v33  }
0x9f: {  	v25 =	vld.idx.msk [tilespmem:v15+s20+$0x10 ss:$0x1], $0xffff  }
0xa0: {  	v30 =	vld.idx.msk [tilespmem:v19+s20+$0x10 ss:$0x1], $0xffff;
	v22 =	vadd.bf16 v29, v22;
	v23 =	vadd.bf16 v24, v23  }
0xa1: {  	s23 =	smul.u32 $0xC0, s29;
	v27 =	vld.idx.msk [tilespmem:v20+s20+$0x10 ss:$0x1], $0xffff  }
0xa2: {  	v24 =	vld.idx.msk [tilespmem:v7+s20+$0xFFFFFFB0 ss:$0x1], $0xffff;
	v22 =	vadd.bf16 v23, v22  }
0xa3: {  	s24 =	sadd.s32 s23, s18;
	v29 =	vld.idx.msk [tilespmem:v9+s20+$0xFFFFFFB0 ss:$0x1], $0xffff  }
0xa4: {  	s23 =	sand.u32 $0xFFFFFFE0, s24;
	v23 =	vmul.bf16 v11, v26;
	v26 =	vmul.bf16 v12, v28;
	v28 =	vld.idx.msk [tilespmem:v16+s20+$0xFFFFFFB0 ss:$0x1], $0xffff;
	v55 =	vunpack.i.l.bf16.f32 v22  }
0xa5: {  	v25 =	vmul.bf16 v17, v25;
	v30 =	vmul.bf16 v18, v30;
	v22 =	vunpack.i.u.bf16.f32 v22;
	[tilespmem:s23+$0xC900] =	vst.add.f32.msk $0xffff, v55  }
0xa6: {  	v27 =	vmul.bf16 v13, v27;
	s23 =	simm.s32 $0x4C0;
	[tilespmem:s31+$0x90] =	vst.add.f32.msk $0xffff, v22  }
0xa7: {  	v23 =	vadd.bf16 v25, v23;
	v25 =	vadd.bf16 v30, v26;
	v26 =	vmul.bf16 v5, v31;
	v60 =	vld.idx.msk [tilespmem:v10+s23+$0xFFFFFFA0 ss:$0x1], $0xffff  }
0xa8: {  	v22 =	vmul.bf16 v4, v24;
	v24 =	vld.idx.msk [tilespmem:v3+s17+$0x50 ss:$0x1], $0xffff  }
0xa9: {  	v23 =	vadd.bf16 v27, v23;
	v25 =	vadd.bf16 v26, v25;
	v26 =	vmul.bf16 v2, v29;
	v27 =	vld.idx.msk [tilespmem:v6+s17+$0x50 ss:$0x1], $0xffff  }
0xaa: {  	v28 =	vmul.bf16 v14, v28;
	v29 =	vld.idx.msk [tilespmem:v15+s17+$0x50 ss:$0x1], $0xffff  }
0xab: {  	v30 =	vld.idx.msk [tilespmem:v20+s17+$0x50 ss:$0x1], $0xffff;
	v22 =	vadd.bf16 v22, v23;
	v23 =	vadd.bf16 v26, v25;
	v25 =	vmul.bf16 v21, v32  }
0xac: {  	v26 =	vld.idx.msk [tilespmem:v19+s17+$0x50 ss:$0x1], $0xffff  }
0xad: {  	v31 =	vld.idx.msk [tilespmem:v16+s17+$0xFFFFFFF0 ss:$0x1], $0xffff;
	v22 =	vadd.bf16 v28, v22;
	v23 =	vadd.bf16 v25, v23  }
0xae: {  	v25 =	vld.idx.msk [tilespmem:v8+s17+$0xFFFFFFF0 ss:$0x1], $0xffff  }
0xaf: {  	v28 =	vld.idx.msk [tilespmem:v7+s17+$0xFFFFFFF0 ss:$0x1], $0xffff;
	v22 =	vadd.bf16 v23, v22  }
0xb0: {  	v23 =	vld.idx.msk [tilespmem:v9+s17+$0xFFFFFFF0 ss:$0x1], $0xffff;
	v24 =	vmul.bf16 v11, v24;
	v27 =	vmul.bf16 v12, v27  }
0xb1: {  	v33 =	vld.idx.msk [tilespmem:v10+s17+$0xFFFFFFF0 ss:$0x1], $0xffff;
	v29 =	vmul.bf16 v17, v29;
	v26 =	vmul.bf16 v18, v26;
	v56 =	vunpack.i.l.bf16.f32 v22  }
0xb2: {  	v30 =	vmul.bf16 v13, v30;
	v22 =	vunpack.i.u.bf16.f32 v22;
	[tilespmem:s21+$0x20] =	vst.add.f32.msk $0xffff, v56  }
0xb3: {  	[tilespmem:s21+$0x30] =	vst.add.f32.msk $0xffff, v22;
	v22 =	vadd.bf16 v29, v24;
	v24 =	vadd.bf16 v26, v27;
	v25 =	vmul.bf16 v5, v25  }
0xb4: {  	v27 =	vmul.bf16 v4, v28;
	v26 =	vld.idx.msk [tilespmem:v3+s20+$0x20 ss:$0x1], $0xffff  }
0xb5: {  	v28 =	vld.idx.msk [tilespmem:v6+s20+$0x20 ss:$0x1], $0xffff;
	v22 =	vadd.bf16 v30, v22;
	v24 =	vadd.bf16 v25, v24;
	v23 =	vmul.bf16 v2, v23  }
0xb6: {  	v29 =	vmul.bf16 v14, v31;
	v25 =	vld.idx.msk [tilespmem:v15+s20+$0x20 ss:$0x1], $0xffff  }
0xb7: {  	v30 =	vld.idx.msk [tilespmem:v19+s20+$0x20 ss:$0x1], $0xffff;
	v22 =	vadd.bf16 v27, v22;
	v23 =	vadd.bf16 v23, v24;
	v24 =	vmul.bf16 v21, v33  }
0xb8: {  	v31 =	vld.idx.msk [tilespmem:v8+s20+$0xFFFFFFC0 ss:$0x1], $0xffff  }
0xb9: {  	v27 =	vld.idx.msk [tilespmem:v20+s20+$0x20 ss:$0x1], $0xffff;
	v22 =	vadd.bf16 v29, v22;
	v23 =	vadd.bf16 v24, v23  }
0xba: {  	v32 =	vld.idx.msk [tilespmem:v10+s20+$0xFFFFFFC0 ss:$0x1], $0xffff  }
0xbb: {  	v24 =	vld.idx.msk [tilespmem:v7+s20+$0xFFFFFFC0 ss:$0x1], $0xffff;
	v22 =	vadd.bf16 v23, v22  }
0xbc: {  	v29 =	vld.idx.msk [tilespmem:v9+s20+$0xFFFFFFC0 ss:$0x1], $0xffff;
	v25 =	vmul.bf16 v17, v25;
	v30 =	vmul.bf16 v18, v30  }
0xbd: {  	v23 =	vmul.bf16 v11, v26;
	v26 =	vmul.bf16 v12, v28;
	v28 =	vld.idx.msk [tilespmem:v16+s20+$0xFFFFFFC0 ss:$0x1], $0xffff;
	v57 =	vunpack.i.l.bf16.f32 v22  }
0xbe: {  	v27 =	vmul.bf16 v13, v27;
	v22 =	vunpack.i.u.bf16.f32 v22;
	[tilespmem:s31+$0xA0] =	vst.add.f32.msk $0xffff, v57  }
0xbf: {  	v23 =	vadd.bf16 v25, v23;
	v25 =	vadd.bf16 v30, v26;
	v26 =	vmul.bf16 v5, v31;
	[tilespmem:s31+$0xB0] =	vst.add.f32.msk $0xffff, v22  }
0xc0: {  	v22 =	vmul.bf16 v4, v24;
	v24 =	vld.idx.msk [tilespmem:v3+s17+$0x60 ss:$0x1], $0xffff  }
0xc1: {  	v23 =	vadd.bf16 v27, v23;
	v25 =	vadd.bf16 v26, v25;
	v26 =	vmul.bf16 v2, v29;
	v27 =	vld.idx.msk [tilespmem:v6+s17+$0x60 ss:$0x1], $0xffff  }
0xc2: {  	v29 =	vld.idx.msk [tilespmem:v15+s17+$0x60 ss:$0x1], $0xffff;
	v28 =	vmul.bf16 v14, v28  }
0xc3: {  	v30 =	vld.idx.msk [tilespmem:v20+s17+$0x60 ss:$0x1], $0xffff;
	v22 =	vadd.bf16 v22, v23;
	v23 =	vadd.bf16 v26, v25;
	v25 =	vmul.bf16 v21, v32  }
0xc4: {  	v26 =	vld.idx.msk [tilespmem:v19+s17+$0x60 ss:$0x1], $0xffff  }
0xc5: {  	v31 =	vld.idx.msk [tilespmem:v16+s17+$0x0 ss:$0x1], $0xffff;
	v22 =	vadd.bf16 v28, v22;
	v23 =	vadd.bf16 v25, v23  }
0xc6: {  	v25 =	vld.idx.msk [tilespmem:v8+s17+$0x0 ss:$0x1], $0xffff  }
0xc7: {  	v33 =	vld.idx.msk [tilespmem:v10+s17+$0x0 ss:$0x1], $0xffff;
	v22 =	vadd.bf16 v23, v22  }
0xc8: {  	v28 =	vld.idx.msk [tilespmem:v7+s17+$0x0 ss:$0x1], $0xffff;
	v24 =	vmul.bf16 v11, v24;
	v27 =	vmul.bf16 v12, v27  }
0xc9: {  	v29 =	vmul.bf16 v17, v29;
	v23 =	vld.idx.msk [tilespmem:v9+s17+$0x0 ss:$0x1], $0xffff;
	v26 =	vmul.bf16 v18, v26;
	v58 =	vunpack.i.l.bf16.f32 v22  }
0xca: {  	v22 =	vunpack.i.u.bf16.f32 v22;
	[tilespmem:s21+$0x40] =	vst.add.f32.msk $0xffff, v58  }
0xcb: {  	[tilespmem:s21+$0x50] =	vst.add.f32.msk $0xffff, v22;
	v22 =	vadd.bf16 v29, v24;
	v24 =	vadd.bf16 v26, v27;
	v25 =	vmul.bf16 v5, v25  }
0xcc: {  	v30 =	vmul.bf16 v13, v30;
	v26 =	vld.idx.msk [tilespmem:v3+s20+$0x30 ss:$0x1], $0xffff  }
0xcd: {  	v24 =	vadd.bf16 v25, v24;
	v25 =	vld.idx.msk [tilespmem:v15+s20+$0x30 ss:$0x1], $0xffff  }
0xce: {  	v27 =	vmul.bf16 v4, v28;
	v22 =	vadd.bf16 v30, v22;
	v23 =	vmul.bf16 v2, v23;
	v30 =	vld.idx.msk [tilespmem:v19+s20+$0x30 ss:$0x1], $0xffff  }
0xcf: {  	v29 =	vmul.bf16 v14, v31;
	v28 =	vld.idx.msk [tilespmem:v6+s20+$0x30 ss:$0x1], $0xffff  }
0xd0: {  	v22 =	vadd.bf16 v27, v22;
	v23 =	vadd.bf16 v23, v24;
	v24 =	vmul.bf16 v21, v33;
	v27 =	vld.idx.msk [tilespmem:v20+s20+$0x30 ss:$0x1], $0xffff  }
0xd1: {  	v31 =	vld.idx.msk [tilespmem:v8+s20+$0xFFFFFFD0 ss:$0x1], $0xffff  }
0xd2: {  	v22 =	vadd.bf16 v29, v22;
	v23 =	vadd.bf16 v24, v23;
	v24 =	vld.idx.msk [tilespmem:v7+s20+$0xFFFFFFD0 ss:$0x1], $0xffff  }
0xd3: {  	v29 =	vld.idx.msk [tilespmem:v9+s20+$0xFFFFFFD0 ss:$0x1], $0xffff;
	v25 =	vmul.bf16 v17, v25;
	v30 =	vmul.bf16 v18, v30  }
0xd4: {  	v22 =	vadd.bf16 v23, v22;
	v23 =	vmul.bf16 v11, v26;
	v26 =	vmul.bf16 v12, v28;
	v28 =	vld.idx.msk [tilespmem:v16+s20+$0xFFFFFFD0 ss:$0x1], $0xffff  }
0xd5: {  	v32 =	vld.idx.msk [tilespmem:v10+s20+$0xFFFFFFD0 ss:$0x1], $0xffff;
	v27 =	vmul.bf16 v13, v27  }
0xd6: {  	v23 =	vadd.bf16 v25, v23;
	v25 =	vadd.bf16 v30, v26;
	v26 =	vmul.bf16 v5, v31;
	v30 =	vld.idx.msk [tilespmem:v6+s23+$0x0 ss:$0x1], $0xffff  }
0xd7: {  	v59 =	vunpack.i.u.bf16.f32 v22;
	v22 =	vunpack.i.l.bf16.f32 v22;
	v31 =	vld.idx.msk [tilespmem:v8+s23+$0xFFFFFFA0 ss:$0x1], $0xffff;
	v24 =	vmul.bf16 v4, v24  }
0xd8: {  	[tilespmem:s31+$0xC0] =	vst.add.f32.msk $0xffff, v22;
	v23 =	vadd.bf16 v27, v23;
	v25 =	vadd.bf16 v26, v25;
	v26 =	vmul.bf16 v2, v29  }
0xd9: {  	v22 =	vld.idx.msk [tilespmem:v3+s23+$0x0 ss:$0x1], $0xffff;
	v28 =	vmul.bf16 v14, v28  }
0xda: {  	v27 =	vld.idx.msk [tilespmem:v15+s23+$0x0 ss:$0x1], $0xffff;
	v23 =	vadd.bf16 v24, v23;
	v24 =	vadd.bf16 v26, v25;
	v25 =	vmul.bf16 v21, v32  }
0xdb: {  	v29 =	vld.idx.msk [tilespmem:v19+s23+$0x0 ss:$0x1], $0xffff  }
0xdc: {  	v26 =	vld.idx.msk [tilespmem:v20+s23+$0x0 ss:$0x1], $0xffff;
	v23 =	vadd.bf16 v28, v23;
	v24 =	vadd.bf16 v25, v24  }
0xdd: {  	[tilespmem:s31+$0xD0] =	vst.add.f32.msk $0xffff, v59  }
0xde: {  	v25 =	vld.idx.msk [tilespmem:v7+s23+$0xFFFFFFA0 ss:$0x1], $0xffff;
	v23 =	vadd.bf16 v24, v23  }
0xdf: {  	v28 =	vld.idx.msk [tilespmem:v9+s23+$0xFFFFFFA0 ss:$0x1], $0xffff;
	v22 =	vmul.bf16 v11, v22;
	v27 =	vmul.bf16 v17, v27  }
0xe0: {  	v29 =	vmul.bf16 v18, v29;
	v24 =	vmul.bf16 v12, v30;
	v30 =	vld.idx.msk [tilespmem:v16+s23+$0xFFFFFFA0 ss:$0x1], $0xffff;
	v61 =	vunpack.i.l.bf16.f32 v23  }
0xe1: {  	v26 =	vmul.bf16 v13, v26;
	v23 =	vunpack.i.u.bf16.f32 v23;
	[tilespmem:s21+$0x60] =	vst.add.f32.msk $0xffff, v61  }
0xe2: {  	v22 =	vadd.bf16 v27, v22;
	v27 =	vmul.bf16 v5, v31;
	v24 =	vadd.bf16 v29, v24;
	[tilespmem:s21+$0x70] =	vst.add.f32.msk $0xffff, v23  }
0xe3: {  	v23 =	vmul.bf16 v4, v25;
	v25 =	vld.idx.msk [tilespmem:v3+s20+$0x40 ss:$0x1], $0xffff  }
0xe4: {  	v22 =	vadd.bf16 v26, v22;
	v26 =	vmul.bf16 v2, v28;
	v24 =	vadd.bf16 v27, v24;
	v27 =	vld.idx.msk [tilespmem:v6+s20+$0x40 ss:$0x1], $0xffff  }
0xe5: {  	v29 =	vld.idx.msk [tilespmem:v15+s20+$0x40 ss:$0x1], $0xffff;
	v28 =	vmul.bf16 v14, v30  }
0xe6: {  	v31 =	vld.idx.msk [tilespmem:v16+s20+$0xFFFFFFE0 ss:$0x1], $0xffff;
	v22 =	vadd.bf16 v23, v22;
	v23 =	vadd.bf16 v26, v24;
	v24 =	vmul.bf16 v21, v60  }
0xe7: {  	v26 =	vld.idx.msk [tilespmem:v19+s20+$0x40 ss:$0x1], $0xffff  }
0xe8: {  	v30 =	vld.idx.msk [tilespmem:v20+s20+$0x40 ss:$0x1], $0xffff;
	v22 =	vadd.bf16 v28, v22;
	v23 =	vadd.bf16 v24, v23  }
0xe9: {  	v24 =	vld.idx.msk [tilespmem:v8+s20+$0xFFFFFFE0 ss:$0x1], $0xffff  }
0xea: {  	v28 =	vld.idx.msk [tilespmem:v7+s20+$0xFFFFFFE0 ss:$0x1], $0xffff;
	v22 =	vadd.bf16 v23, v22  }
0xeb: {  	v25 =	vmul.bf16 v11, v25;
	v27 =	vmul.bf16 v12, v27;
	v23 =	vld.idx.msk [tilespmem:v9+s20+$0xFFFFFFE0 ss:$0x1], $0xffff  }
0xec: {  	s25 =	sadd.s32 $0x980, s22;
	v33 =	vld.idx.msk [tilespmem:v10+s20+$0xFFFFFFE0 ss:$0x1], $0xffff;
	v29 =	vmul.bf16 v17, v29;
	v26 =	vmul.bf16 v18, v26;
	v62 =	vunpack.i.l.bf16.f32 v22  }
0xed: {  	v30 =	vmul.bf16 v13, v30;
	v22 =	vunpack.i.u.bf16.f32 v22;
	[tilespmem:s25+$0x0] =	vst.add.f32.msk $0xffff, v62  }
0xee: {  	[tilespmem:s25+$0x10] =	vst.add.f32.msk $0xffff, v22;
	v22 =	vadd.bf16 v29, v25;
	v25 =	vadd.bf16 v26, v27;
	v24 =	vmul.bf16 v5, v24  }
0xef: {  	v63 =	vmul.bf16 v4, v28;
	v26 =	vld.idx.msk [tilespmem:v3+s23+$0x10 ss:$0x1], $0xffff  }
0xf0: {  	v27 =	vld.idx.msk [tilespmem:v6+s23+$0x10 ss:$0x1], $0xffff;
	v30 =	vadd.bf16 v30, v22;
	v24 =	vadd.bf16 v24, v25;
	v25 =	vmul.bf16 v2, v23  }
0xf1: {  	v28 =	vld.idx.msk [tilespmem:v15+s23+$0x10 ss:$0x1], $0xffff;
	v22 =	vmul.bf16 v14, v31  }
0xf2: {  	s26 =	simm.s32 $0x3900;
	v29 =	vld.idx.msk [tilespmem:v19+s23+$0x10 ss:$0x1], $0xffff;
	v23 =	vadd.bf16 v63, v30;
	v24 =	vadd.bf16 v25, v24;
	v25 =	vmul.bf16 v21, v33  }
.LBB2_5:
0xf3: {  	p0 =	sne.s32 s26, $0x7200;
	v30 =	vld.idx.msk [tilespmem:v20+s23+$0x10 ss:$0x1], $0xffff  }
0xf4: {  	v31 =	vld.idx.msk [tilespmem:v8+s23+$0xFFFFFFB0 ss:$0x1], $0xffff;
	v22 =	vadd.bf16 v22, v23;
	v23 =	vadd.bf16 v25, v24  }
0xf5: {  	v24 =	vld.idx.msk [tilespmem:v7+s23+$0xFFFFFFB0 ss:$0x1], $0xffff  }
0xf6: {  	v25 =	vld.idx.msk [tilespmem:v9+s23+$0xFFFFFFB0 ss:$0x1], $0xffff;
	v22 =	vadd.bf16 v23, v22  }
0xf7: {  	s24 =	sadd.s32 $0x4C0, s24;
	v23 =	vmul.bf16 v11, v26;
	v26 =	vmul.bf16 v12, v27;
	v27 =	vld.idx.msk [tilespmem:v16+s23+$0xFFFFFFB0 ss:$0x1], $0xffff  }
0xf8: {  	s28 =	sand.u32 $0xFFFFFFE0, s24;
	v28 =	vmul.bf16 v17, v28;
	v29 =	vmul.bf16 v18, v29;
	v32 =	vld.idx.msk [tilespmem:v10+s23+$0xFFFFFFB0 ss:$0x1], $0xffff;
	v33 =	vunpack.i.l.bf16.f32 v22  }
0xf9: {  	v30 =	vmul.bf16 v13, v30;
	v22 =	vunpack.i.u.bf16.f32 v22;
	[tilespmem:s28+$0xC900] =	vst.add.f32.msk $0xffff, v33  }
0xfa: {  	v23 =	vadd.bf16 v28, v23;
	v26 =	vadd.bf16 v29, v26;
	v28 =	vmul.bf16 v5, v31;
	[tilespmem:s21+$0x90] =	vst.add.f32.msk $0xffff, v22  }
0xfb: {  	v22 =	vmul.bf16 v4, v24;
	v24 =	vld.idx.msk [tilespmem:v3+s20+$0x50 ss:$0x1], $0xffff  }
0xfc: {  	v23 =	vadd.bf16 v30, v23;
	v26 =	vadd.bf16 v28, v26;
	v25 =	vmul.bf16 v2, v25;
	v28 =	vld.idx.msk [tilespmem:v6+s20+$0x50 ss:$0x1], $0xffff  }
0xfd: {  	v27 =	vmul.bf16 v14, v27;
	v29 =	vld.idx.msk [tilespmem:v15+s20+$0x50 ss:$0x1], $0xffff  }
0xfe: {  	v22 =	vadd.bf16 v22, v23;
	v23 =	vadd.bf16 v25, v26;
	v25 =	vmul.bf16 v21, v32;
	v26 =	vld.idx.msk [tilespmem:v19+s20+$0x50 ss:$0x1], $0xffff  }
0xff: {  	v30 =	vld.idx.msk [tilespmem:v20+s20+$0x50 ss:$0x1], $0xffff  }
0x100: {  	v22 =	vadd.bf16 v27, v22;
	v23 =	vadd.bf16 v25, v23;
	v25 =	vld.idx.msk [tilespmem:v8+s20+$0xFFFFFFF0 ss:$0x1], $0xffff  }
0x101: {  	v27 =	vld.idx.msk [tilespmem:v7+s20+$0xFFFFFFF0 ss:$0x1], $0xffff  }
0x102: {  	v22 =	vadd.bf16 v23, v22;
	v23 =	vld.idx.msk [tilespmem:v9+s20+$0xFFFFFFF0 ss:$0x1], $0xffff  }
0x103: {  	v24 =	vmul.bf16 v11, v24;
	v28 =	vmul.bf16 v12, v28;
	v31 =	vld.idx.msk [tilespmem:v16+s20+$0xFFFFFFF0 ss:$0x1], $0xffff  }
0x104: {  	v29 =	vmul.bf16 v17, v29;
	v32 =	vunpack.i.l.bf16.f32 v22;
	v26 =	vmul.bf16 v18, v26;
	v33 =	vld.idx.msk [tilespmem:v10+s20+$0xFFFFFFF0 ss:$0x1], $0xffff  }
0x105: {  	v22 =	vunpack.i.u.bf16.f32 v22;
	v30 =	vmul.bf16 v13, v30;
	[tilespmem:s25+$0x20] =	vst.add.f32.msk $0xffff, v32  }
0x106: {  	v25 =	vmul.bf16 v5, v25;
	[tilespmem:s25+$0x30] =	vst.add.f32.msk $0xffff, v22;
	v22 =	vadd.bf16 v29, v24;
	v24 =	vadd.bf16 v26, v28  }
0x107: {  	v27 =	vmul.bf16 v4, v27;
	v26 =	vld.idx.msk [tilespmem:v3+s23+$0x20 ss:$0x1], $0xffff  }
0x108: {  	v23 =	vmul.bf16 v2, v23;
	v28 =	vld.idx.msk [tilespmem:v6+s23+$0x20 ss:$0x1], $0xffff;
	v22 =	vadd.bf16 v30, v22;
	v24 =	vadd.bf16 v25, v24  }
0x109: {  	v29 =	vmul.bf16 v14, v31;
	v25 =	vld.idx.msk [tilespmem:v15+s23+$0x20 ss:$0x1], $0xffff  }
0x10a: {  	v30 =	vld.idx.msk [tilespmem:v19+s23+$0x20 ss:$0x1], $0xffff;
	v22 =	vadd.bf16 v27, v22;
	v23 =	vadd.bf16 v23, v24;
	v24 =	vmul.bf16 v21, v33  }
0x10b: {  	v27 =	vld.idx.msk [tilespmem:v20+s23+$0x20 ss:$0x1], $0xffff  }
0x10c: {  	v31 =	vld.idx.msk [tilespmem:v8+s23+$0xFFFFFFC0 ss:$0x1], $0xffff;
	v22 =	vadd.bf16 v29, v22;
	v23 =	vadd.bf16 v24, v23  }
0x10d: {  	v24 =	vld.idx.msk [tilespmem:v7+s23+$0xFFFFFFC0 ss:$0x1], $0xffff  }
0x10e: {  	v29 =	vld.idx.msk [tilespmem:v9+s23+$0xFFFFFFC0 ss:$0x1], $0xffff;
	v22 =	vadd.bf16 v23, v22  }
0x10f: {  	v23 =	vmul.bf16 v11, v26;
	v26 =	vmul.bf16 v12, v28;
	v28 =	vld.idx.msk [tilespmem:v16+s23+$0xFFFFFFC0 ss:$0x1], $0xffff  }
0x110: {  	v25 =	vmul.bf16 v17, v25;
	v30 =	vmul.bf16 v18, v30;
	v32 =	vld.idx.msk [tilespmem:v10+s23+$0xFFFFFFC0 ss:$0x1], $0xffff;
	v33 =	vunpack.i.l.bf16.f32 v22  }
0x111: {  	v27 =	vmul.bf16 v13, v27;
	v22 =	vunpack.i.u.bf16.f32 v22;
	[tilespmem:s21+$0xA0] =	vst.add.f32.msk $0xffff, v33  }
0x112: {  	v23 =	vadd.bf16 v25, v23;
	v25 =	vadd.bf16 v30, v26;
	v26 =	vmul.bf16 v5, v31;
	[tilespmem:s21+$0xB0] =	vst.add.f32.msk $0xffff, v22  }
0x113: {  	v22 =	vmul.bf16 v4, v24;
	v24 =	vld.idx.msk [tilespmem:v3+s20+$0x60 ss:$0x1], $0xffff  }
0x114: {  	v23 =	vadd.bf16 v27, v23;
	v25 =	vadd.bf16 v26, v25;
	v26 =	vmul.bf16 v2, v29;
	v27 =	vld.idx.msk [tilespmem:v6+s20+$0x60 ss:$0x1], $0xffff  }
0x115: {  	v28 =	vmul.bf16 v14, v28;
	v29 =	vld.idx.msk [tilespmem:v15+s20+$0x60 ss:$0x1], $0xffff  }
0x116: {  	v22 =	vadd.bf16 v22, v23;
	v23 =	vadd.bf16 v26, v25;
	v25 =	vmul.bf16 v21, v32;
	v26 =	vld.idx.msk [tilespmem:v19+s20+$0x60 ss:$0x1], $0xffff  }
0x117: {  	v30 =	vld.idx.msk [tilespmem:v20+s20+$0x60 ss:$0x1], $0xffff  }
0x118: {  	v22 =	vadd.bf16 v28, v22;
	v23 =	vadd.bf16 v25, v23;
	v25 =	vld.idx.msk [tilespmem:v8+s20+$0x0 ss:$0x1], $0xffff  }
0x119: {  	v28 =	vld.idx.msk [tilespmem:v7+s20+$0x0 ss:$0x1], $0xffff  }
0x11a: {  	v22 =	vadd.bf16 v23, v22;
	v23 =	vld.idx.msk [tilespmem:v9+s20+$0x0 ss:$0x1], $0xffff  }
0x11b: {  	v24 =	vmul.bf16 v11, v24;
	v27 =	vmul.bf16 v12, v27;
	v31 =	vld.idx.msk [tilespmem:v16+s20+$0x0 ss:$0x1], $0xffff  }
0x11c: {  	v29 =	vmul.bf16 v17, v29;
	v32 =	vunpack.i.l.bf16.f32 v22;
	v26 =	vmul.bf16 v18, v26;
	v33 =	vld.idx.msk [tilespmem:v10+s20+$0x0 ss:$0x1], $0xffff;
	s20 =	smov.u32 s23  }
0x11d: {  	v22 =	vunpack.i.u.bf16.f32 v22;
	v30 =	vmul.bf16 v13, v30;
	[tilespmem:s25+$0x40] =	vst.add.f32.msk $0xffff, v32  }
0x11e: {  	v25 =	vmul.bf16 v5, v25;
	[tilespmem:s25+$0x50] =	vst.add.f32.msk $0xffff, v22;
	v22 =	vadd.bf16 v29, v24;
	v24 =	vadd.bf16 v26, v27  }
0x11f: {  	v27 =	vmul.bf16 v4, v28;
	v26 =	vld.idx.msk [tilespmem:v3+s23+$0x30 ss:$0x1], $0xffff  }
0x120: {  	v23 =	vmul.bf16 v2, v23;
	v28 =	vld.idx.msk [tilespmem:v6+s23+$0x30 ss:$0x1], $0xffff;
	v22 =	vadd.bf16 v30, v22;
	v24 =	vadd.bf16 v25, v24  }
0x121: {  	v29 =	vmul.bf16 v14, v31;
	v25 =	vld.idx.msk [tilespmem:v15+s23+$0x30 ss:$0x1], $0xffff  }
0x122: {  	v30 =	vld.idx.msk [tilespmem:v19+s23+$0x30 ss:$0x1], $0xffff;
	v22 =	vadd.bf16 v27, v22;
	v23 =	vadd.bf16 v23, v24;
	v24 =	vmul.bf16 v21, v33  }
0x123: {  	v27 =	vld.idx.msk [tilespmem:v20+s23+$0x30 ss:$0x1], $0xffff  }
0x124: {  	v31 =	vld.idx.msk [tilespmem:v8+s23+$0xFFFFFFD0 ss:$0x1], $0xffff;
	v22 =	vadd.bf16 v29, v22;
	v23 =	vadd.bf16 v24, v23  }
0x125: {  	v24 =	vld.idx.msk [tilespmem:v7+s23+$0xFFFFFFD0 ss:$0x1], $0xffff  }
0x126: {  	v29 =	vld.idx.msk [tilespmem:v9+s23+$0xFFFFFFD0 ss:$0x1], $0xffff;
	v22 =	vadd.bf16 v23, v22  }
0x127: {  	v23 =	vmul.bf16 v11, v26;
	v26 =	vmul.bf16 v12, v28;
	v28 =	vld.idx.msk [tilespmem:v16+s23+$0xFFFFFFD0 ss:$0x1], $0xffff  }
0x128: {  	v25 =	vmul.bf16 v17, v25;
	v30 =	vmul.bf16 v18, v30;
	v32 =	vld.idx.msk [tilespmem:v10+s23+$0xFFFFFFD0 ss:$0x1], $0xffff;
	v33 =	vunpack.i.u.bf16.f32 v22  }
0x129: {  	v27 =	vmul.bf16 v13, v27;
	v22 =	vunpack.i.l.bf16.f32 v22;
	[tilespmem:s21+$0xD0] =	vst.add.f32.msk $0xffff, v33  }
0x12a: {  	v23 =	vadd.bf16 v25, v23;
	s23 =	sadd.s32 $0x260, s23;
	v25 =	vadd.bf16 v30, v26;
	v26 =	vmul.bf16 v5, v31;
	[tilespmem:s21+$0xC0] =	vst.add.f32.msk $0xffff, v22;
	s21 =	smov.u32 s25  }
0x12b: {  	v24 =	vmul.bf16 v4, v24;
	v22 =	vld.idx.msk [tilespmem:v3+s23+$0x0 ss:$0x1], $0xffff  }
0x12c: {  	v23 =	vadd.bf16 v27, v23;
	v25 =	vadd.bf16 v26, v25;
	v26 =	vmul.bf16 v2, v29;
	v30 =	vld.idx.msk [tilespmem:v6+s23+$0x0 ss:$0x1], $0xffff  }
0x12d: {  	v28 =	vmul.bf16 v14, v28;
	v27 =	vld.idx.msk [tilespmem:v15+s23+$0x0 ss:$0x1], $0xffff  }
0x12e: {  	v23 =	vadd.bf16 v24, v23;
	v24 =	vadd.bf16 v26, v25;
	v25 =	vmul.bf16 v21, v32;
	v29 =	vld.idx.msk [tilespmem:v19+s23+$0x0 ss:$0x1], $0xffff  }
0x12f: {  	v26 =	vld.idx.msk [tilespmem:v20+s23+$0x0 ss:$0x1], $0xffff  }
0x130: {  	v23 =	vadd.bf16 v28, v23;
	v24 =	vadd.bf16 v25, v24;
	v31 =	vld.idx.msk [tilespmem:v8+s23+$0xFFFFFFA0 ss:$0x1], $0xffff  }
0x131: {  	v25 =	vld.idx.msk [tilespmem:v7+s23+$0xFFFFFFA0 ss:$0x1], $0xffff  }
0x132: {  	v23 =	vadd.bf16 v24, v23;
	v28 =	vld.idx.msk [tilespmem:v9+s23+$0xFFFFFFA0 ss:$0x1], $0xffff  }
0x133: {  	v22 =	vmul.bf16 v11, v22;
	v24 =	vmul.bf16 v12, v30;
	v30 =	vld.idx.msk [tilespmem:v16+s23+$0xFFFFFFA0 ss:$0x1], $0xffff  }
0x134: {  	v27 =	vmul.bf16 v17, v27;
	v29 =	vmul.bf16 v18, v29;
	v33 =	vunpack.i.l.bf16.f32 v23;
	v32 =	vld.idx.msk [tilespmem:v10+s23+$0xFFFFFFA0 ss:$0x1], $0xffff  }
0x135: {  	v23 =	vunpack.i.u.bf16.f32 v23;
	v26 =	vmul.bf16 v13, v26;
	[tilespmem:s21+$0x60] =	vst.add.f32.msk $0xffff, v33  }
0x136: {  	v22 =	vadd.bf16 v27, v22;
	v24 =	vadd.bf16 v29, v24;
	v27 =	vmul.bf16 v5, v31;
	[tilespmem:s21+$0x70] =	vst.add.f32.msk $0xffff, v23  }
0x137: {  	v23 =	vmul.bf16 v4, v25;
	v25 =	vld.idx.msk [tilespmem:v3+s20+$0x40 ss:$0x1], $0xffff  }
0x138: {  	v22 =	vadd.bf16 v26, v22;
	v24 =	vadd.bf16 v27, v24;
	v26 =	vmul.bf16 v2, v28;
	v27 =	vld.idx.msk [tilespmem:v6+s20+$0x40 ss:$0x1], $0xffff  }
0x139: {  	v28 =	vmul.bf16 v14, v30;
	v29 =	vld.idx.msk [tilespmem:v15+s20+$0x40 ss:$0x1], $0xffff  }
0x13a: {  	v22 =	vadd.bf16 v23, v22;
	v23 =	vadd.bf16 v26, v24;
	v24 =	vmul.bf16 v21, v32;
	v26 =	vld.idx.msk [tilespmem:v19+s20+$0x40 ss:$0x1], $0xffff  }
0x13b: {  	v30 =	vld.idx.msk [tilespmem:v20+s20+$0x40 ss:$0x1], $0xffff  }
0x13c: {  	v22 =	vadd.bf16 v28, v22;
	v23 =	vadd.bf16 v24, v23;
	v24 =	vld.idx.msk [tilespmem:v8+s20+$0xFFFFFFE0 ss:$0x1], $0xffff  }
0x13d: {  	v28 =	vld.idx.msk [tilespmem:v7+s20+$0xFFFFFFE0 ss:$0x1], $0xffff  }
0x13e: {  	v22 =	vadd.bf16 v23, v22;
	v23 =	vld.idx.msk [tilespmem:v9+s20+$0xFFFFFFE0 ss:$0x1], $0xffff  }
0x13f: {  	s25 =	sshra.s32 s26, $0x2;
	v25 =	vmul.bf16 v11, v25;
	v27 =	vmul.bf16 v12, v27;
	v31 =	vld.idx.msk [tilespmem:v16+s20+$0xFFFFFFE0 ss:$0x1], $0xffff  }
0x140: {  	s25 =	sadd.s32 s25, s22;
	v29 =	vmul.bf16 v17, v29;
	v32 =	vunpack.i.l.bf16.f32 v22;
	v26 =	vmul.bf16 v18, v26;
	v33 =	vld.idx.msk [tilespmem:v10+s20+$0xFFFFFFE0 ss:$0x1], $0xffff  }
0x141: {  	v22 =	vunpack.i.u.bf16.f32 v22;
	v30 =	vmul.bf16 v13, v30;
	[tilespmem:s25+$0x0] =	vst.add.f32.msk $0xffff, v32  }
.Ltmp1:
0x142: {  	v24 =	vmul.bf16 v5, v24;
	[tilespmem:s25+$0x10] =	vst.add.f32.msk $0xffff, v22;
	v22 =	vadd.bf16 v29, v25;
	v25 =	vadd.bf16 v26, v27;
	(pc) =	sbr.rel @p0 .LBB2_5-.Ltmp1, $4  }
0x143: {  	v32 =	vmul.bf16 v4, v28;
	v26 =	vld.idx.msk [tilespmem:v3+s23+$0x10 ss:$0x1], $0xffff  }
0x144: {  	v27 =	vld.idx.msk [tilespmem:v6+s23+$0x10 ss:$0x1], $0xffff;
	v30 =	vadd.bf16 v30, v22;
	v24 =	vadd.bf16 v24, v25;
	v25 =	vmul.bf16 v2, v23  }
0x145: {  	v22 =	vmul.bf16 v14, v31;
	v28 =	vld.idx.msk [tilespmem:v15+s23+$0x10 ss:$0x1], $0xffff  }
0x146: {  	s26 =	sadd.s32 $0x1300, s26;
	v29 =	vld.idx.msk [tilespmem:v19+s23+$0x10 ss:$0x1], $0xffff;
	v23 =	vadd.bf16 v32, v30;
	v24 =	vadd.bf16 v25, v24;
	v25 =	vmul.bf16 v21, v33  }
0x147: {  	_ =	sdelay $0x3  }
0x148: {  	v30 =	vld.idx.msk [tilespmem:v20+s23+$0x10 ss:$0x1], $0xffff  }
0x149: {  	v31 =	vld.idx.msk [tilespmem:v8+s23+$0xFFFFFFB0 ss:$0x1], $0xffff  }
0x14a: {  	v32 =	vld.idx.msk [tilespmem:v7+s23+$0xFFFFFFB0 ss:$0x1], $0xffff  }
0x14b: {  	v33 =	vld.idx.msk [tilespmem:v9+s23+$0xFFFFFFB0 ss:$0x1], $0xffff;
	v26 =	vmul.bf16 v11, v26;
	v27 =	vmul.bf16 v12, v27  }
0x14c: {  	v34 =	vld.idx.msk [tilespmem:v16+s23+$0xFFFFFFB0 ss:$0x1], $0xffff;
	v28 =	vmul.bf16 v17, v28;
	v29 =	vmul.bf16 v18, v29  }
0x14d: {  	v35 =	vld.idx.msk [tilespmem:v10+s23+$0xFFFFFFB0 ss:$0x1], $0xffff;
	v30 =	vmul.bf16 v13, v30  }
0x14e: {  	v26 =	vadd.bf16 v28, v26;
	v62 =	vmul.bf16 v5, v31;
	v27 =	vadd.bf16 v29, v27  }
0x14f: {  	v63 =	vmul.bf16 v4, v32  }
0x150: {  	v33 =	vmul.bf16 v2, v33;
	v26 =	vadd.bf16 v30, v26;
	v27 =	vadd.bf16 v62, v27  }
0x151: {  	v34 =	vmul.bf16 v14, v34  }
0x152: {  	v36 =	vmul.bf16 v21, v35;
	v26 =	vadd.bf16 v63, v26;
	v27 =	vadd.bf16 v33, v27;
	_ =	sdelay $0x1  }
0x153: {  	v26 =	vadd.bf16 v34, v26;
	v27 =	vadd.bf16 v36, v27;
	_ =	sdelay $0x1  }
0x154: {  	v26 =	vadd.bf16 v27, v26;
	_ =	sdelay $0x1  }
0x155: {  	v27 =	vunpack.i.l.bf16.f32 v26  }
0x156: {  	v26 =	vunpack.i.u.bf16.f32 v26;
	[tilespmem:s25+$0x20] =	vst.add.f32.msk $0xffff, v27  }
0x157: {  	[tilespmem:s25+$0x30] =	vst.add.f32.msk $0xffff, v26  }
0x158: {  	v26 =	vld.idx.msk [tilespmem:v3+s23+$0x20 ss:$0x1], $0xffff  }
0x159: {  	v27 =	vld.idx.msk [tilespmem:v6+s23+$0x20 ss:$0x1], $0xffff  }
0x15a: {  	v37 =	vld.idx.msk [tilespmem:v15+s23+$0x20 ss:$0x1], $0xffff  }
0x15b: {  	v38 =	vld.idx.msk [tilespmem:v19+s23+$0x20 ss:$0x1], $0xffff  }
0x15c: {  	v39 =	vld.idx.msk [tilespmem:v20+s23+$0x20 ss:$0x1], $0xffff  }
0x15d: {  	v40 =	vld.idx.msk [tilespmem:v8+s23+$0xFFFFFFC0 ss:$0x1], $0xffff  }
0x15e: {  	v41 =	vld.idx.msk [tilespmem:v7+s23+$0xFFFFFFC0 ss:$0x1], $0xffff  }
0x15f: {  	v42 =	vld.idx.msk [tilespmem:v9+s23+$0xFFFFFFC0 ss:$0x1], $0xffff;
	v26 =	vmul.bf16 v11, v26;
	v27 =	vmul.bf16 v12, v27  }
0x160: {  	v43 =	vld.idx.msk [tilespmem:v16+s23+$0xFFFFFFC0 ss:$0x1], $0xffff;
	v28 =	vmul.bf16 v17, v37;
	v29 =	vmul.bf16 v18, v38  }
0x161: {  	v44 =	vld.idx.msk [tilespmem:v10+s23+$0xFFFFFFC0 ss:$0x1], $0xffff;
	v30 =	vmul.bf16 v13, v39  }
0x162: {  	v45 =	vmul.bf16 v5, v40;
	v26 =	vadd.bf16 v28, v26;
	v27 =	vadd.bf16 v29, v27  }
0x163: {  	v46 =	vmul.bf16 v4, v41  }
0x164: {  	v47 =	vmul.bf16 v2, v42;
	v26 =	vadd.bf16 v30, v26;
	v27 =	vadd.bf16 v45, v27  }
0x165: {  	v48 =	vmul.bf16 v14, v43  }
0x166: {  	v49 =	vmul.bf16 v21, v44;
	v26 =	vadd.bf16 v46, v26;
	v27 =	vadd.bf16 v47, v27  }
0x167: {  	v22 =	vadd.bf16 v22, v23;
	v50 =	vadd.bf16 v25, v24  }
0x168: {  	v51 =	vadd.bf16 v48, v26;
	v52 =	vadd.bf16 v49, v27  }
0x169: {  	v22 =	vadd.bf16 v50, v22  }
0x16a: {  	s22 =	sadd.s32 $0x4C0, s24;
	v53 =	vadd.bf16 v52, v51  }
0x16b: {  	s24 =	sand.u32 $0xFFFFFFE0, s22;
	v54 =	vunpack.i.l.bf16.f32 v22  }
0x16c: {  	[tilespmem:s24+$0xC900] =	vst.add.f32.msk $0xffff, v54;
	v55 =	vunpack.i.l.bf16.f32 v53  }
0x16d: {  	v23 =	vunpack.i.u.bf16.f32 v53;
	[tilespmem:s25+$0x40] =	vst.add.f32.msk $0xffff, v55  }
0x16e: {  	[tilespmem:s25+$0x50] =	vst.add.f32.msk $0xffff, v23  }
0x16f: {  	v23 =	vld.idx.msk [tilespmem:v3+s23+$0x30 ss:$0x1], $0xffff  }
0x170: {  	v24 =	vld.idx.msk [tilespmem:v6+s23+$0x30 ss:$0x1], $0xffff  }
0x171: {  	v56 =	vld.idx.msk [tilespmem:v15+s23+$0x30 ss:$0x1], $0xffff  }
0x172: {  	v57 =	vld.idx.msk [tilespmem:v19+s23+$0x30 ss:$0x1], $0xffff  }
0x173: {  	v58 =	vld.idx.msk [tilespmem:v20+s23+$0x30 ss:$0x1], $0xffff  }
0x174: {  	v59 =	vld.idx.msk [tilespmem:v8+s23+$0xFFFFFFD0 ss:$0x1], $0xffff  }
0x175: {  	v60 =	vld.idx.msk [tilespmem:v7+s23+$0xFFFFFFD0 ss:$0x1], $0xffff  }
0x176: {  	v61 =	vld.idx.msk [tilespmem:v9+s23+$0xFFFFFFD0 ss:$0x1], $0xffff;
	v23 =	vmul.bf16 v11, v23;
	v24 =	vmul.bf16 v12, v24  }
0x177: {  	v62 =	vld.idx.msk [tilespmem:v16+s23+$0xFFFFFFD0 ss:$0x1], $0xffff;
	v25 =	vmul.bf16 v17, v56;
	v26 =	vmul.bf16 v18, v57  }
0x178: {  	v22 =	vunpack.i.u.bf16.f32 v22;
	v63 =	vld.idx.msk [tilespmem:v10+s23+$0xFFFFFFD0 ss:$0x1], $0xffff;
	v27 =	vmul.bf16 v13, v58  }
0x179: {  	[tilespmem:s21+$0x90] =	vst.add.f32.msk $0xffff, v22;
	v36 =	vmul.bf16 v5, v59;
	v34 =	vadd.bf16 v25, v23;
	v35 =	vadd.bf16 v26, v24  }
0x17a: {  	v50 =	vld.idx.msk [tilespmem:v10+s20+$0xFFFFFFF0 ss:$0x1], $0xffff;
	v38 =	vmul.bf16 v4, v60  }
0x17b: {  	v37 =	vld.idx.msk [tilespmem:v3+s20+$0x50 ss:$0x1], $0xffff;
	v40 =	vmul.bf16 v2, v61;
	v22 =	vadd.bf16 v27, v34;
	v23 =	vadd.bf16 v36, v35  }
0x17c: {  	v39 =	vld.idx.msk [tilespmem:v6+s20+$0x50 ss:$0x1], $0xffff;
	v42 =	vmul.bf16 v14, v62  }
0x17d: {  	v41 =	vld.idx.msk [tilespmem:v15+s20+$0x50 ss:$0x1], $0xffff;
	v44 =	vmul.bf16 v21, v63;
	v22 =	vadd.bf16 v38, v22;
	v23 =	vadd.bf16 v40, v23  }
0x17e: {  	v43 =	vld.idx.msk [tilespmem:v19+s20+$0x50 ss:$0x1], $0xffff  }
0x17f: {  	v45 =	vld.idx.msk [tilespmem:v20+s20+$0x50 ss:$0x1], $0xffff;
	v22 =	vadd.bf16 v42, v22;
	v23 =	vadd.bf16 v44, v23  }
0x180: {  	v46 =	vld.idx.msk [tilespmem:v8+s20+$0xFFFFFFF0 ss:$0x1], $0xffff  }
0x181: {  	v47 =	vld.idx.msk [tilespmem:v7+s20+$0xFFFFFFF0 ss:$0x1], $0xffff;
	v22 =	vadd.bf16 v23, v22  }
0x182: {  	v48 =	vld.idx.msk [tilespmem:v9+s20+$0xFFFFFFF0 ss:$0x1], $0xffff  }
0x183: {  	v49 =	vld.idx.msk [tilespmem:v16+s20+$0xFFFFFFF0 ss:$0x1], $0xffff;
	v51 =	vunpack.i.l.bf16.f32 v22  }
0x184: {  	v22 =	vunpack.i.u.bf16.f32 v22;
	[tilespmem:s25+$0x60] =	vst.add.f32.msk $0xffff, v51  }
0x185: {  	[tilespmem:s25+$0x70] =	vst.add.f32.msk $0xffff, v22  }
0x186: {  	v22 =	vld.idx.msk [tilespmem:v3+s23+$0x40 ss:$0x1], $0xffff  }
0x187: {  	v33 =	vld.idx.msk [tilespmem:v6+s23+$0x40 ss:$0x1], $0xffff  }
0x188: {  	v52 =	vld.idx.msk [tilespmem:v15+s23+$0x40 ss:$0x1], $0xffff  }
0x189: {  	v28 =	vmul.bf16 v12, v39;
	v30 =	vmul.bf16 v18, v43;
	v53 =	vld.idx.msk [tilespmem:v19+s23+$0x40 ss:$0x1], $0xffff  }
0x18a: {  	v54 =	vmul.bf16 v5, v46;
	v29 =	vmul.bf16 v2, v48;
	v36 =	vld.idx.msk [tilespmem:v20+s23+$0x40 ss:$0x1], $0xffff  }
0x18b: {  	v25 =	vmul.bf16 v11, v37;
	v27 =	vmul.bf16 v17, v41;
	v37 =	vld.idx.msk [tilespmem:v8+s23+$0xFFFFFFE0 ss:$0x1], $0xffff  }
0x18c: {  	v28 =	vadd.bf16 v30, v28;
	v26 =	vmul.bf16 v13, v45;
	v24 =	vmul.bf16 v4, v47;
	v55 =	vld.idx.msk [tilespmem:v7+s23+$0xFFFFFFE0 ss:$0x1], $0xffff  }
0x18d: {  	v25 =	vadd.bf16 v27, v25;
	v56 =	vld.idx.msk [tilespmem:v9+s23+$0xFFFFFFE0 ss:$0x1], $0xffff;
	v22 =	vmul.bf16 v11, v22;
	v34 =	vmul.bf16 v17, v52  }
0x18e: {  	v59 =	vld.idx.msk [tilespmem:v10+s23+$0xFFFFFFE0 ss:$0x1], $0xffff;
	v57 =	vmul.bf16 v12, v33;
	v35 =	vmul.bf16 v18, v53  }
0x18f: {  	v27 =	vadd.bf16 v54, v28;
	v25 =	vadd.bf16 v26, v25;
	v58 =	vld.idx.msk [tilespmem:v16+s23+$0xFFFFFFE0 ss:$0x1], $0xffff;
	v60 =	vmul.bf16 v13, v36  }
0x190: {  	v62 =	vmul.bf16 v5, v37;
	v22 =	vadd.bf16 v34, v22;
	v61 =	vadd.bf16 v35, v57  }
0x191: {  	v24 =	vadd.bf16 v24, v25;
	v23 =	vmul.bf16 v14, v49;
	v31 =	vmul.bf16 v4, v55  }
0x192: {  	v63 =	vmul.bf16 v2, v56;
	v22 =	vadd.bf16 v60, v22;
	v25 =	vadd.bf16 v62, v61  }
0x193: {  	v27 =	vadd.bf16 v29, v27;
	v36 =	vmul.bf16 v21, v59;
	v34 =	vmul.bf16 v21, v50  }
0x194: {  	v35 =	vmul.bf16 v14, v58;
	v22 =	vadd.bf16 v31, v22;
	v25 =	vadd.bf16 v63, v25  }
0x195: {  	v23 =	vadd.bf16 v23, v24;
	v37 =	vadd.bf16 v34, v27  }
0x196: {  	v22 =	vadd.bf16 v35, v22;
	v25 =	vadd.bf16 v36, v25  }
0x197: {  	v23 =	vadd.bf16 v37, v23  }
0x198: {  	v22 =	vadd.bf16 v25, v22  }
0x199: {  	s22 =	sadd.s32 $0x4C0, s22;
	v24 =	vunpack.i.l.bf16.f32 v23  }
0x19a: {  	s22 =	sand.u32 $0xFFFFFFE0, s22;
	[tilespmem:s21+$0xA0] =	vst.add.f32.msk $0xffff, v24;
	v38 =	vunpack.i.l.bf16.f32 v22  }
0x19b: {  	v22 =	vunpack.i.u.bf16.f32 v22;
	[tilespmem:s22+$0xC900] =	vst.add.f32.msk $0xffff, v38  }
0x19c: {  	[tilespmem:s25+$0x90] =	vst.add.f32.msk $0xffff, v22  }
0x19d: {  	v22 =	vld.idx.msk [tilespmem:v3+s23+$0x50 ss:$0x1], $0xffff  }
0x19e: {  	v24 =	vld.idx.msk [tilespmem:v6+s23+$0x50 ss:$0x1], $0xffff  }
0x19f: {  	v39 =	vld.idx.msk [tilespmem:v15+s23+$0x50 ss:$0x1], $0xffff  }
0x1a0: {  	v40 =	vld.idx.msk [tilespmem:v19+s23+$0x50 ss:$0x1], $0xffff  }
0x1a1: {  	v41 =	vld.idx.msk [tilespmem:v20+s23+$0x50 ss:$0x1], $0xffff  }
0x1a2: {  	v42 =	vld.idx.msk [tilespmem:v8+s23+$0xFFFFFFF0 ss:$0x1], $0xffff  }
0x1a3: {  	v43 =	vld.idx.msk [tilespmem:v7+s23+$0xFFFFFFF0 ss:$0x1], $0xffff  }
0x1a4: {  	v44 =	vld.idx.msk [tilespmem:v9+s23+$0xFFFFFFF0 ss:$0x1], $0xffff;
	v22 =	vmul.bf16 v11, v22;
	v24 =	vmul.bf16 v12, v24  }
0x1a5: {  	v45 =	vld.idx.msk [tilespmem:v16+s23+$0xFFFFFFF0 ss:$0x1], $0xffff;
	v25 =	vmul.bf16 v17, v39;
	v26 =	vmul.bf16 v18, v40  }
0x1a6: {  	v23 =	vunpack.i.u.bf16.f32 v23;
	v46 =	vld.idx.msk [tilespmem:v10+s23+$0xFFFFFFF0 ss:$0x1], $0xffff;
	v27 =	vmul.bf16 v13, v41  }
0x1a7: {  	[tilespmem:s21+$0xB0] =	vst.add.f32.msk $0xffff, v23;
	v48 =	vmul.bf16 v5, v42;
	v22 =	vadd.bf16 v25, v22;
	v47 =	vadd.bf16 v26, v24  }
0x1a8: {  	v49 =	vld.idx.msk [tilespmem:v3+s20+$0x60 ss:$0x1], $0xffff;
	v50 =	vmul.bf16 v4, v43  }
0x1a9: {  	v51 =	vld.idx.msk [tilespmem:v6+s20+$0x60 ss:$0x1], $0xffff;
	v52 =	vmul.bf16 v2, v44;
	v22 =	vadd.bf16 v27, v22;
	v23 =	vadd.bf16 v48, v47  }
0x1aa: {  	v53 =	vld.idx.msk [tilespmem:v15+s20+$0x60 ss:$0x1], $0xffff;
	v54 =	vmul.bf16 v14, v45  }
0x1ab: {  	v55 =	vld.idx.msk [tilespmem:v19+s20+$0x60 ss:$0x1], $0xffff;
	v56 =	vmul.bf16 v21, v46;
	v22 =	vadd.bf16 v50, v22;
	v23 =	vadd.bf16 v52, v23  }
0x1ac: {  	v57 =	vld.idx.msk [tilespmem:v20+s20+$0x60 ss:$0x1], $0xffff  }
0x1ad: {  	v58 =	vld.idx.msk [tilespmem:v8+s20+$0x0 ss:$0x1], $0xffff;
	v22 =	vadd.bf16 v54, v22;
	v23 =	vadd.bf16 v56, v23  }
0x1ae: {  	v59 =	vld.idx.msk [tilespmem:v7+s20+$0x0 ss:$0x1], $0xffff  }
0x1af: {  	v60 =	vld.idx.msk [tilespmem:v9+s20+$0x0 ss:$0x1], $0xffff;
	v22 =	vadd.bf16 v23, v22  }
0x1b0: {  	v61 =	vld.idx.msk [tilespmem:v16+s20+$0x0 ss:$0x1], $0xffff  }
0x1b1: {  	v62 =	vld.idx.msk [tilespmem:v10+s20+$0x0 ss:$0x1], $0xffff;
	v63 =	vunpack.i.l.bf16.f32 v22  }
0x1b2: {  	v22 =	vunpack.i.u.bf16.f32 v22;
	[tilespmem:s25+$0xA0] =	vst.add.f32.msk $0xffff, v63  }
0x1b3: {  	[tilespmem:s25+$0xB0] =	vst.add.f32.msk $0xffff, v22  }
0x1b4: {  	v3 =	vld.idx.msk [tilespmem:v3+s23+$0x60 ss:$0x1], $0xffff  }
0x1b5: {  	v34 =	vld.idx.msk [tilespmem:v6+s23+$0x60 ss:$0x1], $0xffff  }
0x1b6: {  	v39 =	vmul.bf16 v12, v51;
	v40 =	vmul.bf16 v18, v55;
	v35 =	vld.idx.msk [tilespmem:v15+s23+$0x60 ss:$0x1], $0xffff  }
0x1b7: {  	v36 =	vmul.bf16 v11, v49;
	v38 =	vld.idx.msk [tilespmem:v19+s23+$0x60 ss:$0x1], $0xffff  }
0x1b8: {  	v37 =	vmul.bf16 v17, v53;
	v42 =	vmul.bf16 v5, v58;
	v27 =	vadd.bf16 v40, v39;
	v41 =	vld.idx.msk [tilespmem:v20+s23+$0x60 ss:$0x1], $0xffff  }
0x1b9: {  	v44 =	vmul.bf16 v2, v60;
	v26 =	vmul.bf16 v13, v57;
	v43 =	vld.idx.msk [tilespmem:v8+s23+$0x0 ss:$0x1], $0xffff  }
0x1ba: {  	v24 =	vmul.bf16 v4, v59;
	v47 =	vadd.bf16 v42, v27;
	v50 =	vmul.bf16 v14, v61;
	v45 =	vld.idx.msk [tilespmem:v7+s23+$0x0 ss:$0x1], $0xffff  }
0x1bb: {  	v22 =	vadd.bf16 v37, v36;
	v46 =	vld.idx.msk [tilespmem:v9+s23+$0x0 ss:$0x1], $0xffff;
	v3 =	vmul.bf16 v11, v3;
	v6 =	vmul.bf16 v12, v34  }
0x1bc: {  	v48 =	vld.idx.msk [tilespmem:v16+s23+$0x0 ss:$0x1], $0xffff;
	v15 =	vmul.bf16 v17, v35;
	v49 =	vmul.bf16 v18, v38  }
0x1bd: {  	v55 =	vadd.bf16 v44, v47;
	v52 =	vld.idx.msk [tilespmem:v10+s23+$0x0 ss:$0x1], $0xffff;
	v22 =	vadd.bf16 v26, v22;
	v53 =	vmul.bf16 v13, v41  }
0x1be: {  	v54 =	vmul.bf16 v5, v43;
	v3 =	vadd.bf16 v15, v3;
	v6 =	vadd.bf16 v49, v6  }
0x1bf: {  	v56 =	vmul.bf16 v21, v62;
	v51 =	vadd.bf16 v24, v22;
	v57 =	vmul.bf16 v4, v45  }
0x1c0: {  	v2 =	vmul.bf16 v2, v46;
	v3 =	vadd.bf16 v53, v3;
	v5 =	vadd.bf16 v54, v6  }
0x1c1: {  	v59 =	vadd.bf16 v56, v55;
	v58 =	vadd.bf16 v50, v51;
	v60 =	vmul.bf16 v14, v48  }
0x1c2: {  	v61 =	vmul.bf16 v21, v52;
	v3 =	vadd.bf16 v57, v3;
	v2 =	vadd.bf16 v2, v5  }
0x1c3: {  	v62 =	vadd.bf16 v59, v58  }
0x1c4: {  	s19 =	sadd.s32 $0x1, s19;
	v3 =	vadd.bf16 v60, v3;
	v2 =	vadd.bf16 v61, v2  }
0x1c5: {  	p0 =	sne.s32 s19, $0x100  }
.Ltmp2:
0x1c6: {  	v63 =	vunpack.i.u.bf16.f32 v62;
	v2 =	vadd.bf16 v2, v3;
	(pc) =	sbr.rel @p0 .LBB2_4-.Ltmp2, $4  }
0x1c7: {  	[tilespmem:s21+$0xD0] =	vst.add.f32.msk $0xffff, v63;
	v3 =	vunpack.i.l.bf16.f32 v62  }
0x1c8: {  	[tilespmem:s21+$0xC0] =	vst.add.f32.msk $0xffff, v3;
	v3 =	vunpack.i.u.bf16.f32 v2  }
0x1c9: {  	v2 =	vunpack.i.l.bf16.f32 v2;
	[tilespmem:s25+$0xD0] =	vst.add.f32.msk $0xffff, v3  }
0x1ca: {  	s16 =	sadd.s32 $0x20, s16;
	s18 =	sadd.s32 $0x20, s18;
	[tilespmem:s25+$0xC0] =	vst.add.f32.msk $0xffff, v2  }
0x1cb: {  	s15 =	sadd.s32 $0x1, s15  }
0x1cc: {  	p0 =	sne.s32 s15, s7  }
.Ltmp3:
0x1cd: {  	_ = 	snop;
	(pc) =	sbr.rel @p0 .LBB2_1-.Ltmp3, $4  }
0x1ce: {  	[hbm4b:s6+s8] =	stream.strided.scatter [tilespmem:s14], [sflag:$0x1], $0x4280, s11, s8, $0x38;
	[tilespmem:$0x10B00] =	vst v63  }
0x1cf: {  	_ =	swait.ge [sflag:s10], $0x4280  }
0x1d0: {  	[sflag:s10] =	ssyncset.done $0x0  }
0x1d1: {  	[sflag:s10] =	ssyncadd.s32 $0xFFFFBD80  }
0x1d2: {  	_ =	sfence.sel $0x180000  }
0x1d3: {  	[bflag:$0x0] =	sbarrier.arrive $0xFFFF  }
0x1d4: {  	p0 =	sne.s32 s1, $0x0;
	_ =	strace $0x90000047  }
0x1d5: {  	s0 =	sadd.s32 @!p0 $0x100000, s0;
	[bflag:$0x2] =	sbarrier.arrive $0xFFFF  }
0x1d6: {  	[sflag:s0] =	ssyncadd.tile.s32 @!p0 $0x1;
	_ =	shalt  }
.Lfunc_end2:
_tile_overlayer_lowered:
.L_overlay_start_2:
0x1d7: {  	(tag) =	ssettag $0x2  }
0x1d8: {  	s0 =	rddreg [dreg:$0x0];
	s2 =	stileid.u32  }
0x1d9: {  	s1 =	rddreg [dreg:$0x1];
	p0 =	sne.s32 s2, $0x0  }
0x1da: {  	s3 =	rddreg [dreg:$0x2];
	[bflag:$0x3] =	sbarrier.arrive $0xFFFF;
	s2 =	simm.s32 @!p0 $0x1C01  }
0x1db: {  	[timem:s3], [sflag:s2] =	dma.local @!p0 [hbm:s0], s1  }
0x1dc: {  	s0 =	simm.s32 @!p0 $0x1  }
0x1dd: {  	_ =	swait.ge @!p0 [sflag:s0], s1  }
0x1de: {  	s1 =	ssub.s32 @!p0 $0x0, s1;
	[sflag:s0] =	ssyncset.done @!p0 $0x0  }
0x1df: {  	[sflag:s0] =	ssyncadd.s32 @!p0 s1  }
0x1e0: {  	[bflag:$0x3] =	sbarrier.arrive $0xFFFF  }
0x1e1: {  	_ =	shalt  }

</sc_bundles>
